<compile_context>
chip_gen: v7x
topology: tpu7x:2x2x1
jax: 0.10.2.dev20260603
libtpu: 0.0.44.dev20260713+nightly
codegen_flags: <defaults>
</compile_context>

<pallas_src>
import jax
import jax.numpy as jnp
from jax import lax
from jax.experimental import pallas as pl
from jax.experimental.pallas import tpu as pltpu
from jax.experimental.pallas import tpu_sc as plsc

_VOCAB = 100000
_D = 128
_L = 2048
_B = 32
_NC = 2
_NS = 16
_NW = _NC * _NS
_NHALF = 2
_BW = _B // _NHALF
_NCOL = _NW // _NHALF
_LW = _L // _NCOL
_LANES = 16
_NBUF = 4
_GROUPS = _BW // _NBUF


def _emb_body(seq_hbm, table_hbm, pos_hbm, out_hbm, idx_v, pos_v, tok_v,
              gsems, osems, psem):
    wid = lax.axis_index("s") * _NC + lax.axis_index("c")
    half = wid // _NCOL
    colblk = wid % _NCOL
    b0 = half * _BW
    l0 = colblk * _LW

    pltpu.sync_copy(seq_hbm.at[pl.ds(b0, _BW), pl.ds(l0, _LW)], idx_v)
    pos_copy = pltpu.async_copy(
        pos_hbm.at[pl.ds(l0 * _D, _LW * _D)], pos_v, psem)

    def gstart(lb, buf):
        pltpu.async_copy(table_hbm.at[idx_v.at[lb]], tok_v.at[buf], gsems[buf])

    def gwait(buf):
        pltpu.make_async_copy(
            table_hbm.at[pl.ds(0, _LW)], tok_v.at[buf], gsems[buf]).wait()

    def ostart(lb, buf):
        pltpu.async_copy(
            tok_v.at[buf],
            out_hbm.at[pl.ds((b0 + lb) * _L + l0, _LW)], osems[buf])

    def owait(buf):
        pltpu.make_async_copy(
            tok_v.at[buf], out_hbm.at[pl.ds(0, _LW)], osems[buf]).wait()

    def add_pos(buf):
        @pl.loop(0, _LW, unroll=1)
        def _(r):
            for c in range(_D // _LANES):
                plsc.addupdate(
                    tok_v.at[buf, r, pl.ds(c * _LANES, _LANES)],
                    pos_v[pl.ds(r * _D + c * _LANES, _LANES)],
                )

    for lb in range(_NBUF):
        gstart(lb, lb)
    pos_copy.wait()

    def group(i, carry):
        for j in range(_NBUF):
            lb = _NBUF * i + j
            s = lb - 2
            sbuf = (j - 2) % _NBUF

            @pl.when(jnp.logical_and(s >= 0, s + _NBUF < _BW))
            def _():
                owait(sbuf)
                gstart(s + _NBUF, sbuf)

            gwait(j)
            add_pos(j)
            ostart(lb, j)
        return carry

    lax.fori_loop(0, _GROUPS, group, 0)
    for j in range(_NBUF):
        owait(j)


@jax.jit
def kernel(sequence, token_table, pos_table):
    seq = sequence.astype(jnp.int32)
    pos_flat = pos_table.reshape(_L * _D)
    mesh = plsc.VectorSubcoreMesh(core_axis_name="c", subcore_axis_name="s")
    out = pl.kernel(
        _emb_body,
        out_type=jax.ShapeDtypeStruct((_B * _L, _D), jnp.float32),
        mesh=mesh,
        scratch_types=[
            pltpu.VMEM((_BW, _LW), jnp.int32),
            pltpu.VMEM((_LW * _D,), jnp.float32),
            pltpu.VMEM((_NBUF, _LW, _D), jnp.float32),
            [pltpu.SemaphoreType.DMA] * _NBUF,
            [pltpu.SemaphoreType.DMA] * _NBUF,
            pltpu.SemaphoreType.DMA,
        ],
    )(seq, token_table, pos_flat)
    return out.reshape(_B, _L, _D)

# --- scband reference (transcript-rebuilt; emitter-appended) ---
"""Pipeline reference for scband-bertembedding-18683107738385 (READ-ONLY COPY).

The authoritative reference and input builder live on the scoring server;
editing this copy changes nothing except your own understanding.
"""

import jax, jax.numpy as jnp
import numpy as np

VOCAB = 100000
D = 128
MAX_LEN = 2048
BATCH = 32


def setup_inputs(seed: int = 0) -> dict:
    key = jax.random.key(seed)
    k1, k2, k3 = jax.random.split(key, 3)
    sequence = jax.random.randint(k1, (BATCH, MAX_LEN), 0, VOCAB, dtype=jnp.int64 if jax.config.jax_enable_x64 else jnp.int32)
    token_table = jax.random.normal(k2, (VOCAB, D), dtype=jnp.float32)
    # torch nn.Embedding padding_idx=0 -> row 0 initialized to zeros
    token_table = token_table.at[0].set(0.0)
    pos_table = jax.random.normal(k3, (MAX_LEN, D), dtype=jnp.float32)
    return {"sequence": sequence, "token_table": token_table, "pos_table": pos_table}


def reference(sequence, token_table, pos_table):
    # TokenEmbedding: gather rows from the token table
    tok = jnp.take(token_table, sequence, axis=0)            # [B, L, D]
    # PositionalEmbedding: pe.weight broadcast over batch (repeat)
    pos = jnp.broadcast_to(pos_table[None, :, :], tok.shape)  # [B, L, D]
    out = tok + pos
    # dropout is identity in eval/reference mode
    return out

if __name__ == "__main__":
    import jax
    _d = setup_inputs()
    print(jax.jit(kernel)(*tuple(_d.values())))

</pallas_src>

<mosaic_0001>
#map = affine_map<(d0, d1) -> (0, 0)>
#map1 = affine_map<(d0, d1) -> (0)>
module attributes {stable_mosaic.version = 14 : i64} {
  func.func @_emb_body(%arg0: i32, %arg1: i32, %arg2: memref<32x2048xi32, #tpu.memory_space<hbm>>, %arg3: memref<100000x128xf32, #tpu.memory_space<hbm>>, %arg4: memref<262144xf32, #tpu.memory_space<hbm>>, %arg5: memref<65536x128xf32, #tpu.memory_space<hbm>>, %arg6: memref<16x128xi32, #tpu.memory_space<vmem>>, %arg7: memref<16384xf32, #tpu.memory_space<vmem>>, %arg8: memref<4x128x128xf32, #tpu.memory_space<vmem>>, %arg9: memref<!tpu.dma_semaphore, #tpu.memory_space<semaphore_mem>>, %arg10: memref<!tpu.dma_semaphore, #tpu.memory_space<semaphore_mem>>, %arg11: memref<!tpu.dma_semaphore, #tpu.memory_space<semaphore_mem>>, %arg12: memref<!tpu.dma_semaphore, #tpu.memory_space<semaphore_mem>>, %arg13: memref<!tpu.dma_semaphore, #tpu.memory_space<semaphore_mem>>, %arg14: memref<!tpu.dma_semaphore, #tpu.memory_space<semaphore_mem>>, %arg15: memref<!tpu.dma_semaphore, #tpu.memory_space<semaphore_mem>>, %arg16: memref<!tpu.dma_semaphore, #tpu.memory_space<semaphore_mem>>, %arg17: memref<!tpu.dma_semaphore, #tpu.memory_space<semaphore_mem>>) attributes {dimension_semantics = [#tpu.dimension_semantics<core_parallel>, #tpu.dimension_semantics<subcore_parallel>], iteration_bounds = array<i64: 2, 16>, scalar_prefetch = 0 : i64, scratch_operands = 12 : i64, tpu.core_type = #tpu.core_type<sc_vector_subcore>, window_params = [{transform_indices = #map}, {transform_indices = #map}, {transform_indices = #map1}, {transform_indices = #map}]} {
    %mul3A = arith.constant 2 : i32
    %mul3A_0 = arith.muli %arg1, %mul3A : i32
    %add3A = arith.addi %mul3A_0, %arg0 : i32
    %jit3A = arith.constant 16 : i32
    %div3A = arith.divsi %add3A, %jit3A : i32
    %sign3A = arith.constant 0 : i32
    %sign3A_1 = arith.cmpi sgt, %add3A, %sign3A : i32
    %sign3A_2 = arith.extui %sign3A_1 : i1 to i32
    %sign3A_3 = arith.constant 0 : i32
    %sign3A_4 = arith.cmpi slt, %add3A, %sign3A_3 : i32
    %sign3A_5 = arith.extui %sign3A_4 : i1 to i32
    %sign3A_6 = arith.subi %sign3A_2, %sign3A_5 : i32
    %sign3A_7 = arith.constant 0 : i32
    %sign3A_8 = arith.cmpi sgt, %jit3A, %sign3A_7 : i32
    %sign3A_9 = arith.extui %sign3A_8 : i1 to i32
    %sign3A_10 = arith.constant 0 : i32
    %sign3A_11 = arith.cmpi slt, %jit3A, %sign3A_10 : i32
    %sign3A_12 = arith.extui %sign3A_11 : i1 to i32
    %sign3A_13 = arith.subi %sign3A_9, %sign3A_12 : i32
    %ne3A = arith.cmpi ne, %sign3A_6, %sign3A_13 : i32
    %rem3A = arith.remsi %add3A, %jit3A : i32
    %ne3A_14 = arith.constant 0 : i32
    %ne3A_15 = arith.cmpi ne, %rem3A, %ne3A_14 : i32
    %and3A = arith.andi %ne3A, %ne3A_15 : i1
    %sub3A = arith.constant 1 : i32
    %sub3A_16 = arith.subi %div3A, %sub3A : i32
    %select_n3A = arith.select %and3A, %sub3A_16, %div3A : i32
    %jit3A_17 = arith.constant 16 : i32
    %eq3A = arith.constant 0 : i32
    %eq3A_18 = arith.cmpi eq, %jit3A_17, %eq3A : i32
    %jit3A_19 = arith.constant 1 : i32
    %select_n3A_20 = arith.select %eq3A_18, %jit3A_19, %jit3A_17 : i32
    %rem3A_21 = arith.remsi %add3A, %select_n3A_20 : i32
    %ne3A_22 = arith.constant 0 : i32
    %ne3A_23 = arith.cmpi ne, %rem3A_21, %ne3A_22 : i32
    %lt3A = arith.constant 0 : i32
    %lt3A_24 = arith.cmpi slt, %rem3A_21, %lt3A : i32
    %lt3A_25 = arith.constant 0 : i32
    %lt3A_26 = arith.cmpi slt, %select_n3A_20, %lt3A_25 : i32
    %ne3A_27 = arith.xori %lt3A_24, %lt3A_26 : i1
    %and3A_28 = arith.andi %ne3A_27, %ne3A_23 : i1
    %add3A_29 = arith.addi %rem3A_21, %select_n3A_20 : i32
    %select_n3A_30 = arith.select %and3A_28, %add3A_29, %rem3A_21 : i32
    %mul3A_31 = arith.constant 16 : i32
    %mul3A_32 = arith.muli %select_n3A, %mul3A_31 : i32
    %mul3A_33 = arith.constant 128 : i32
    %mul3A_34 = arith.muli %select_n3A_30, %mul3A_33 : i32
    "tpu.region"() ({
      %run_scoped3A = tpu.sem_alloc : memref<!tpu.dma_semaphore, #tpu.memory_space<semaphore_mem>>
      %dma_start3A_152 = tpu.memref_slice %arg2[%mul3A_32, %mul3A_34] : memref<32x2048xi32, #tpu.memory_space<hbm>> -> memref<16x128xi32, #tpu.memory_space<hbm>>
      %dma_start3A_153 = tpu.memref_slice %arg2[%mul3A_32, %mul3A_34] : memref<32x2048xi32, #tpu.memory_space<hbm>> -> memref<16x128xi32, #tpu.memory_space<hbm>>
      tpu.enqueue_dma source(%dma_start3A_153 : memref<16x128xi32, #tpu.memory_space<hbm>>) target(%arg6 : memref<16x128xi32, #tpu.memory_space<vmem>>) target_semaphore(%run_scoped3A : memref<!tpu.dma_semaphore, #tpu.memory_space<semaphore_mem>>)
      %dma_wait3A_154 = tpu.memref_slice %arg2[%mul3A_32, %mul3A_34] : memref<32x2048xi32, #tpu.memory_space<hbm>> -> memref<16x128xi32, #tpu.memory_space<hbm>>
      %dma_wait3A_155 = tpu.memref_slice %arg2[%mul3A_32, %mul3A_34] : memref<32x2048xi32, #tpu.memory_space<hbm>> -> memref<16x128xi32, #tpu.memory_space<hbm>>
      tpu.wait_dma2 semaphore(%run_scoped3A : memref<!tpu.dma_semaphore, #tpu.memory_space<semaphore_mem>>) src(%dma_wait3A_155 : memref<16x128xi32, #tpu.memory_space<hbm>>) dst(%arg6 : memref<16x128xi32, #tpu.memory_space<vmem>>)
      tpu.yield
    }) : () -> ()
    %mul3A_35 = arith.constant 128 : i32
    %mul3A_36 = arith.muli %mul3A_34, %mul3A_35 : i32
    %dma_start3A = tpu.memref_slice %arg4[%mul3A_36] : memref<262144xf32, #tpu.memory_space<hbm>> -> memref<16384xf32, #tpu.memory_space<hbm>>
    %dma_start3A_37 = tpu.memref_slice %arg4[%mul3A_36] : memref<262144xf32, #tpu.memory_space<hbm>> -> memref<16384xf32, #tpu.memory_space<hbm>>
    tpu.enqueue_dma source(%dma_start3A_37 : memref<16384xf32, #tpu.memory_space<hbm>>) target(%arg7 : memref<16384xf32, #tpu.memory_space<vmem>>) target_semaphore(%arg17 : memref<!tpu.dma_semaphore, #tpu.memory_space<semaphore_mem>>)
    %dma_start3A_38 = arith.constant 0 : i32
    %dma_start3A_39 = arith.constant 0 : i32
    %dma_start3A_40 = arith.constant 0 : i32
    %dma_start3A_41 = arith.constant 0 : i32
    %dma_start3A_42 = tpu.memref_slice %arg8[%dma_start3A_39, %dma_start3A_40, %dma_start3A_41] : memref<4x128x128xf32, #tpu.memory_space<vmem>> -> memref<1x128x128xf32, #tpu.memory_space<vmem>>
    %dma_start3A_43 = tpu.memref_squeeze %dma_start3A_42 : memref<1x128x128xf32, #tpu.memory_space<vmem>> -> memref<128x128xf32, #tpu.memory_space<vmem>>
    %dma_start3A_44 = arith.constant 0 : i32
    %dma_start3A_45 = tpu.memref_slice %arg6[%dma_start3A_38, %dma_start3A_44] : memref<16x128xi32, #tpu.memory_space<vmem>> -> memref<1x128xi32, #tpu.memory_space<vmem>>
    %dma_start3A_46 = tpu.memref_squeeze %dma_start3A_45 : memref<1x128xi32, #tpu.memory_space<vmem>> -> memref<128xi32, #tpu.memory_space<vmem>>
    %dma_start3A_47 = arith.constant 0 : i32
    %dma_start3A_48 = arith.constant 0 : i32
    %dma_start3A_49 = tpu.memref_slice %arg3[%dma_start3A_47, %dma_start3A_48] : memref<100000x128xf32, #tpu.memory_space<hbm>> -> memref<100000x128xf32, #tpu.memory_space<hbm>>
    tpu.enqueue_indirect_dma source(%dma_start3A_49 : memref<100000x128xf32, #tpu.memory_space<hbm>>) target(%dma_start3A_43 : memref<128x128xf32, #tpu.memory_space<vmem>>) offsets(%dma_start3A_46 : memref<128xi32, #tpu.memory_space<vmem>>) semaphore(%arg9 : memref<!tpu.dma_semaphore, #tpu.memory_space<semaphore_mem>>)
    %dma_start3A_50 = arith.constant 1 : i32
    %dma_start3A_51 = arith.constant 1 : i32
    %dma_start3A_52 = arith.constant 0 : i32
    %dma_start3A_53 = arith.constant 0 : i32
    %dma_start3A_54 = tpu.memref_slice %arg8[%dma_start3A_51, %dma_start3A_52, %dma_start3A_53] : memref<4x128x128xf32, #tpu.memory_space<vmem>> -> memref<1x128x128xf32, #tpu.memory_space<vmem>>
    %dma_start3A_55 = tpu.memref_squeeze %dma_start3A_54 : memref<1x128x128xf32, #tpu.memory_space<vmem>> -> memref<128x128xf32, #tpu.memory_space<vmem>>
    %dma_start3A_56 = arith.constant 0 : i32
    %dma_start3A_57 = tpu.memref_slice %arg6[%dma_start3A_50, %dma_start3A_56] : memref<16x128xi32, #tpu.memory_space<vmem>> -> memref<1x128xi32, #tpu.memory_space<vmem>>
    %dma_start3A_58 = tpu.memref_squeeze %dma_start3A_57 : memref<1x128xi32, #tpu.memory_space<vmem>> -> memref<128xi32, #tpu.memory_space<vmem>>
    %dma_start3A_59 = arith.constant 0 : i32
    %dma_start3A_60 = arith.constant 0 : i32
    %dma_start3A_61 = tpu.memref_slice %arg3[%dma_start3A_59, %dma_start3A_60] : memref<100000x128xf32, #tpu.memory_space<hbm>> -> memref<100000x128xf32, #tpu.memory_space<hbm>>
    tpu.enqueue_indirect_dma source(%dma_start3A_61 : memref<100000x128xf32, #tpu.memory_space<hbm>>) target(%dma_start3A_55 : memref<128x128xf32, #tpu.memory_space<vmem>>) offsets(%dma_start3A_58 : memref<128xi32, #tpu.memory_space<vmem>>) semaphore(%arg10 : memref<!tpu.dma_semaphore, #tpu.memory_space<semaphore_mem>>)
    %dma_start3A_62 = arith.constant 2 : i32
    %dma_start3A_63 = arith.constant 2 : i32
    %dma_start3A_64 = arith.constant 0 : i32
    %dma_start3A_65 = arith.constant 0 : i32
    %dma_start3A_66 = tpu.memref_slice %arg8[%dma_start3A_63, %dma_start3A_64, %dma_start3A_65] : memref<4x128x128xf32, #tpu.memory_space<vmem>> -> memref<1x128x128xf32, #tpu.memory_space<vmem>>
    %dma_start3A_67 = tpu.memref_squeeze %dma_start3A_66 : memref<1x128x128xf32, #tpu.memory_space<vmem>> -> memref<128x128xf32, #tpu.memory_space<vmem>>
    %dma_start3A_68 = arith.constant 0 : i32
    %dma_start3A_69 = tpu.memref_slice %arg6[%dma_start3A_62, %dma_start3A_68] : memref<16x128xi32, #tpu.memory_space<vmem>> -> memref<1x128xi32, #tpu.memory_space<vmem>>
    %dma_start3A_70 = tpu.memref_squeeze %dma_start3A_69 : memref<1x128xi32, #tpu.memory_space<vmem>> -> memref<128xi32, #tpu.memory_space<vmem>>
    %dma_start3A_71 = arith.constant 0 : i32
    %dma_start3A_72 = arith.constant 0 : i32
    %dma_start3A_73 = tpu.memref_slice %arg3[%dma_start3A_71, %dma_start3A_72] : memref<100000x128xf32, #tpu.memory_space<hbm>> -> memref<100000x128xf32, #tpu.memory_space<hbm>>
    tpu.enqueue_indirect_dma source(%dma_start3A_73 : memref<100000x128xf32, #tpu.memory_space<hbm>>) target(%dma_start3A_67 : memref<128x128xf32, #tpu.memory_space<vmem>>) offsets(%dma_start3A_70 : memref<128xi32, #tpu.memory_space<vmem>>) semaphore(%arg11 : memref<!tpu.dma_semaphore, #tpu.memory_space<semaphore_mem>>)
    %dma_start3A_74 = arith.constant 3 : i32
    %dma_start3A_75 = arith.constant 3 : i32
    %dma_start3A_76 = arith.constant 0 : i32
    %dma_start3A_77 = arith.constant 0 : i32
    %dma_start3A_78 = tpu.memref_slice %arg8[%dma_start3A_75, %dma_start3A_76, %dma_start3A_77] : memref<4x128x128xf32, #tpu.memory_space<vmem>> -> memref<1x128x128xf32, #tpu.memory_space<vmem>>
    %dma_start3A_79 = tpu.memref_squeeze %dma_start3A_78 : memref<1x128x128xf32, #tpu.memory_space<vmem>> -> memref<128x128xf32, #tpu.memory_space<vmem>>
    %dma_start3A_80 = arith.constant 0 : i32
    %dma_start3A_81 = tpu.memref_slice %arg6[%dma_start3A_74, %dma_start3A_80] : memref<16x128xi32, #tpu.memory_space<vmem>> -> memref<1x128xi32, #tpu.memory_space<vmem>>
    %dma_start3A_82 = tpu.memref_squeeze %dma_start3A_81 : memref<1x128xi32, #tpu.memory_space<vmem>> -> memref<128xi32, #tpu.memory_space<vmem>>
    %dma_start3A_83 = arith.constant 0 : i32
    %dma_start3A_84 = arith.constant 0 : i32
    %dma_start3A_85 = tpu.memref_slice %arg3[%dma_start3A_83, %dma_start3A_84] : memref<100000x128xf32, #tpu.memory_space<hbm>> -> memref<100000x128xf32, #tpu.memory_space<hbm>>
    tpu.enqueue_indirect_dma source(%dma_start3A_85 : memref<100000x128xf32, #tpu.memory_space<hbm>>) target(%dma_start3A_79 : memref<128x128xf32, #tpu.memory_space<vmem>>) offsets(%dma_start3A_82 : memref<128xi32, #tpu.memory_space<vmem>>) semaphore(%arg12 : memref<!tpu.dma_semaphore, #tpu.memory_space<semaphore_mem>>)
    %dma_wait3A = tpu.memref_slice %arg4[%mul3A_36] : memref<262144xf32, #tpu.memory_space<hbm>> -> memref<16384xf32, #tpu.memory_space<hbm>>
    %dma_wait3A_86 = tpu.memref_slice %arg4[%mul3A_36] : memref<262144xf32, #tpu.memory_space<hbm>> -> memref<16384xf32, #tpu.memory_space<hbm>>
    tpu.wait_dma2 semaphore(%arg17 : memref<!tpu.dma_semaphore, #tpu.memory_space<semaphore_mem>>) src(%dma_wait3A_86 : memref<16384xf32, #tpu.memory_space<hbm>>) dst(%arg7 : memref<16384xf32, #tpu.memory_space<vmem>>)
    %scan3A = arith.constant 0 : i32
    %scan3A_87 = arith.constant 0 : i32
    %scan3A_88 = arith.constant 4 : i32
    %scan3A_89 = arith.addi %scan3A_87, %scan3A_88 : i32
    %scan3A_90 = arith.constant 1 : i32
    scf.for %scan3A_152 = %scan3A_87 to %scan3A_89 step %scan3A_90  : i32 {
      %mul3A_153 = arith.constant 4 : i32
      %mul3A_154 = arith.muli %mul3A_153, %scan3A_152 : i32
      %add3A_155 = arith.constant 0 : i32
      %add3A_156 = arith.addi %mul3A_154, %add3A_155 : i32
      %sub3A_157 = arith.constant 2 : i32
      %sub3A_158 = arith.subi %add3A_156, %sub3A_157 : i32
      %ge3A = arith.constant 0 : i32
      %ge3A_159 = arith.cmpi sge, %sub3A_158, %ge3A : i32
      %add3A_160 = arith.constant 4 : i32
      %add3A_161 = arith.addi %sub3A_158, %add3A_160 : i32
      %lt3A_162 = arith.constant 16 : i32
      %lt3A_163 = arith.cmpi slt, %add3A_161, %lt3A_162 : i32
      %and3A_164 = arith.andi %ge3A_159, %lt3A_163 : i1
      %convert_element_type3A = arith.extui %and3A_164 : i1 to i32
      %cond3A = arith.constant 0 : i32
      %cond3A_165 = arith.cmpi ne, %convert_element_type3A, %cond3A : i32
      scf.if %cond3A_165 {
        %dma_wait3A_362 = arith.constant 2 : i32
        %dma_wait3A_363 = arith.constant 0 : i32
        %dma_wait3A_364 = arith.constant 0 : i32
        %dma_wait3A_365 = tpu.memref_slice %arg8[%dma_wait3A_362, %dma_wait3A_363, %dma_wait3A_364] : memref<4x128x128xf32, #tpu.memory_space<vmem>> -> memref<1x128x128xf32, #tpu.memory_space<vmem>>
        %dma_wait3A_366 = tpu.memref_squeeze %dma_wait3A_365 : memref<1x128x128xf32, #tpu.memory_space<vmem>> -> memref<128x128xf32, #tpu.memory_space<vmem>>
        %dma_wait3A_367 = arith.constant 0 : i32
        %dma_wait3A_368 = arith.constant 0 : i32
        %dma_wait3A_369 = tpu.memref_slice %arg5[%dma_wait3A_367, %dma_wait3A_368] : memref<65536x128xf32, #tpu.memory_space<hbm>> -> memref<128x128xf32, #tpu.memory_space<hbm>>
        %dma_wait3A_370 = arith.constant 0 : i32
        %dma_wait3A_371 = arith.constant 0 : i32
        %dma_wait3A_372 = tpu.memref_slice %arg5[%dma_wait3A_370, %dma_wait3A_371] : memref<65536x128xf32, #tpu.memory_space<hbm>> -> memref<128x128xf32, #tpu.memory_space<hbm>>
        %dma_wait3A_373 = arith.constant 0 : i32
        %dma_wait3A_374 = arith.constant 0 : i32
        %dma_wait3A_375 = tpu.memref_slice %arg8[%dma_wait3A_362, %dma_wait3A_373, %dma_wait3A_374] : memref<4x128x128xf32, #tpu.memory_space<vmem>> -> memref<1x128x128xf32, #tpu.memory_space<vmem>>
        %dma_wait3A_376 = tpu.memref_squeeze %dma_wait3A_375 : memref<1x128x128xf32, #tpu.memory_space<vmem>> -> memref<128x128xf32, #tpu.memory_space<vmem>>
        tpu.wait_dma2 semaphore(%arg15 : memref<!tpu.dma_semaphore, #tpu.memory_space<semaphore_mem>>) src(%dma_wait3A_376 : memref<128x128xf32, #tpu.memory_space<vmem>>) dst(%dma_wait3A_372 : memref<128x128xf32, #tpu.memory_space<hbm>>)
        %add3A_377 = arith.constant 4 : i32
        %add3A_378 = arith.addi %sub3A_158, %add3A_377 : i32
        %dma_start3A_379 = arith.constant 2 : i32
        %dma_start3A_380 = arith.constant 0 : i32
        %dma_start3A_381 = arith.constant 0 : i32
        %dma_start3A_382 = tpu.memref_slice %arg8[%dma_start3A_379, %dma_start3A_380, %dma_start3A_381] : memref<4x128x128xf32, #tpu.memory_space<vmem>> -> memref<1x128x128xf32, #tpu.memory_space<vmem>>
        %dma_start3A_383 = tpu.memref_squeeze %dma_start3A_382 : memref<1x128x128xf32, #tpu.memory_space<vmem>> -> memref<128x128xf32, #tpu.memory_space<vmem>>
        %dma_start3A_384 = arith.constant 0 : i32
        %dma_start3A_385 = tpu.memref_slice %arg6[%add3A_378, %dma_start3A_384] : memref<16x128xi32, #tpu.memory_space<vmem>> -> memref<1x128xi32, #tpu.memory_space<vmem>>
        %dma_start3A_386 = tpu.memref_squeeze %dma_start3A_385 : memref<1x128xi32, #tpu.memory_space<vmem>> -> memref<128xi32, #tpu.memory_space<vmem>>
        %dma_start3A_387 = arith.constant 0 : i32
        %dma_start3A_388 = arith.constant 0 : i32
        %dma_start3A_389 = tpu.memref_slice %arg3[%dma_start3A_387, %dma_start3A_388] : memref<100000x128xf32, #tpu.memory_space<hbm>> -> memref<100000x128xf32, #tpu.memory_space<hbm>>
        tpu.enqueue_indirect_dma source(%dma_start3A_389 : memref<100000x128xf32, #tpu.memory_space<hbm>>) target(%dma_start3A_383 : memref<128x128xf32, #tpu.memory_space<vmem>>) offsets(%dma_start3A_386 : memref<128xi32, #tpu.memory_space<vmem>>) semaphore(%arg11 : memref<!tpu.dma_semaphore, #tpu.memory_space<semaphore_mem>>)
      } else {
      }
      %dma_wait3A_166 = arith.constant 0 : i32
      %dma_wait3A_167 = arith.constant 0 : i32
      %dma_wait3A_168 = arith.constant 0 : i32
      %dma_wait3A_169 = tpu.memref_slice %arg8[%dma_wait3A_166, %dma_wait3A_167, %dma_wait3A_168] : memref<4x128x128xf32, #tpu.memory_space<vmem>> -> memref<1x128x128xf32, #tpu.memory_space<vmem>>
      %dma_wait3A_170 = tpu.memref_squeeze %dma_wait3A_169 : memref<1x128x128xf32, #tpu.memory_space<vmem>> -> memref<128x128xf32, #tpu.memory_space<vmem>>
      %dma_wait3A_171 = arith.constant 0 : i32
      %dma_wait3A_172 = arith.constant 0 : i32
      %dma_wait3A_173 = tpu.memref_slice %arg3[%dma_wait3A_171, %dma_wait3A_172] : memref<100000x128xf32, #tpu.memory_space<hbm>> -> memref<128x128xf32, #tpu.memory_space<hbm>>
      %dma_wait3A_174 = arith.constant 0 : i32
      %dma_wait3A_175 = arith.constant 0 : i32
      %dma_wait3A_176 = tpu.memref_slice %arg8[%dma_wait3A_166, %dma_wait3A_174, %dma_wait3A_175] : memref<4x128x128xf32, #tpu.memory_space<vmem>> -> memref<1x128x128xf32, #tpu.memory_space<vmem>>
      %dma_wait3A_177 = tpu.memref_squeeze %dma_wait3A_176 : memref<1x128x128xf32, #tpu.memory_space<vmem>> -> memref<128x128xf32, #tpu.memory_space<vmem>>
      %dma_wait3A_178 = arith.constant 0 : i32
      %dma_wait3A_179 = arith.constant 0 : i32
      %dma_wait3A_180 = tpu.memref_slice %arg3[%dma_wait3A_178, %dma_wait3A_179] : memref<100000x128xf32, #tpu.memory_space<hbm>> -> memref<128x128xf32, #tpu.memory_space<hbm>>
      tpu.wait_dma2 semaphore(%arg9 : memref<!tpu.dma_semaphore, #tpu.memory_space<semaphore_mem>>) src(%dma_wait3A_180 : memref<128x128xf32, #tpu.memory_space<hbm>>) dst(%dma_wait3A_177 : memref<128x128xf32, #tpu.memory_space<vmem>>)
      %scan3A_181 = arith.constant 0 : i32
      %scan3A_182 = arith.constant 128 : i32
      %scan3A_183 = arith.addi %scan3A_181, %scan3A_182 : i32
      %scan3A_184 = arith.constant 1 : i32
      scf.for %scan3A_362 = %scan3A_181 to %scan3A_183 step %scan3A_184  : i32 {
        %mul3A_363 = arith.constant 1 : i32
        %mul3A_364 = arith.muli %scan3A_362, %mul3A_363 : i32
        %add3A_365 = arith.constant 0 : i32
        %add3A_366 = arith.addi %add3A_365, %mul3A_364 : i32
        %mul3A_367 = arith.constant 128 : i32
        %mul3A_368 = arith.muli %add3A_366, %mul3A_367 : i32
        %add3A_369 = arith.constant 0 : i32
        %add3A_370 = arith.addi %mul3A_368, %add3A_369 : i32
        %get3A = arith.index_cast %add3A_370 : i32 to index
        %get3A_371 = tpu.vector_load %arg7[%get3A] {strides = array<i32>} : memref<16384xf32, #tpu.memory_space<vmem>>, vector<16xf32>,
        %get3A_372 = vector.shape_cast %get3A_371 : vector<16xf32> to vector<16xf32>
        %swap3A = arith.constant 0 : i32
        %swap3A_373 = arith.index_cast %swap3A : i32 to index
        %swap3A_374 = arith.index_cast %add3A_366 : i32 to index
        %swap3A_375 = arith.constant 0 : index
        %swap3A_376 = tpu.vector_load %arg8[%swap3A_373, %swap3A_374, %swap3A_375] {strides = array<i32>} : memref<4x128x128xf32, #tpu.memory_space<vmem>>, vector<1x1x16xf32>,
        %swap3A_377 = vector.shape_cast %swap3A_376 : vector<1x1x16xf32> to vector<16xf32>
        %swap3A_378 = vector.shape_cast %get3A_372 : vector<16xf32> to vector<1x1x16xf32>
        tpu.vector_store %arg8[%swap3A_373, %swap3A_374, %swap3A_375], %swap3A_378 {add = true, strides = array<i32>} : memref<4x128x128xf32, #tpu.memory_space<vmem>>, vector<1x1x16xf32>,
        %mul3A_379 = arith.constant 128 : i32
        %mul3A_380 = arith.muli %add3A_366, %mul3A_379 : i32
        %add3A_381 = arith.constant 16 : i32
        %add3A_382 = arith.addi %mul3A_380, %add3A_381 : i32
        %get3A_383 = arith.index_cast %add3A_382 : i32 to index
        %get3A_384 = tpu.vector_load %arg7[%get3A_383] {strides = array<i32>} : memref<16384xf32, #tpu.memory_space<vmem>>, vector<16xf32>,
        %get3A_385 = vector.shape_cast %get3A_384 : vector<16xf32> to vector<16xf32>
        %swap3A_386 = arith.constant 0 : i32
        %swap3A_387 = arith.index_cast %swap3A_386 : i32 to index
        %swap3A_388 = arith.index_cast %add3A_366 : i32 to index
        %swap3A_389 = arith.constant 16 : index
        %swap3A_390 = tpu.vector_load %arg8[%swap3A_387, %swap3A_388, %swap3A_389] {strides = array<i32>} : memref<4x128x128xf32, #tpu.memory_space<vmem>>, vector<1x1x16xf32>,
        %swap3A_391 = vector.shape_cast %swap3A_390 : vector<1x1x16xf32> to vector<16xf32>
        %swap3A_392 = vector.shape_cast %get3A_385 : vector<16xf32> to vector<1x1x16xf32>
        tpu.vector_store %arg8[%swap3A_387, %swap3A_388, %swap3A_389], %swap3A_392 {add = true, strides = array<i32>} : memref<4x128x128xf32, #tpu.memory_space<vmem>>, vector<1x1x16xf32>,
        %mul3A_393 = arith.constant 128 : i32
        %mul3A_394 = arith.muli %add3A_366, %mul3A_393 : i32
        %add3A_395 = arith.constant 32 : i32
        %add3A_396 = arith.addi %mul3A_394, %add3A_395 : i32
        %get3A_397 = arith.index_cast %add3A_396 : i32 to index
        %get3A_398 = tpu.vector_load %arg7[%get3A_397] {strides = array<i32>} : memref<16384xf32, #tpu.memory_space<vmem>>, vector<16xf32>,
        %get3A_399 = vector.shape_cast %get3A_398 : vector<16xf32> to vector<16xf32>
        %swap3A_400 = arith.constant 0 : i32
        %swap3A_401 = arith.index_cast %swap3A_400 : i32 to index
        %swap3A_402 = arith.index_cast %add3A_366 : i32 to index
        %swap3A_403 = arith.constant 32 : index
        %swap3A_404 = tpu.vector_load %arg8[%swap3A_401, %swap3A_402, %swap3A_403] {strides = array<i32>} : memref<4x128x128xf32, #tpu.memory_space<vmem>>, vector<1x1x16xf32>,
        %swap3A_405 = vector.shape_cast %swap3A_404 : vector<1x1x16xf32> to vector<16xf32>
        %swap3A_406 = vector.shape_cast %get3A_399 : vector<16xf32> to vector<1x1x16xf32>
        tpu.vector_store %arg8[%swap3A_401, %swap3A_402, %swap3A_403], %swap3A_406 {add = true, strides = array<i32>} : memref<4x128x128xf32, #tpu.memory_space<vmem>>, vector<1x1x16xf32>,
        %mul3A_407 = arith.constant 128 : i32
        %mul3A_408 = arith.muli %add3A_366, %mul3A_407 : i32
        %add3A_409 = arith.constant 48 : i32
        %add3A_410 = arith.addi %mul3A_408, %add3A_409 : i32
        %get3A_411 = arith.index_cast %add3A_410 : i32 to index
        %get3A_412 = tpu.vector_load %arg7[%get3A_411] {strides = array<i32>} : memref<16384xf32, #tpu.memory_space<vmem>>, vector<16xf32>,
        %get3A_413 = vector.shape_cast %get3A_412 : vector<16xf32> to vector<16xf32>
        %swap3A_414 = arith.constant 0 : i32
        %swap3A_415 = arith.index_cast %swap3A_414 : i32 to index
        %swap3A_416 = arith.index_cast %add3A_366 : i32 to index
        %swap3A_417 = arith.constant 48 : index
        %swap3A_418 = tpu.vector_load %arg8[%swap3A_415, %swap3A_416, %swap3A_417] {strides = array<i32>} : memref<4x128x128xf32, #tpu.memory_space<vmem>>, vector<1x1x16xf32>,
        %swap3A_419 = vector.shape_cast %swap3A_418 : vector<1x1x16xf32> to vector<16xf32>
        %swap3A_420 = vector.shape_cast %get3A_413 : vector<16xf32> to vector<1x1x16xf32>
        tpu.vector_store %arg8[%swap3A_415, %swap3A_416, %swap3A_417], %swap3A_420 {add = true, strides = array<i32>} : memref<4x128x128xf32, #tpu.memory_space<vmem>>, vector<1x1x16xf32>,
        %mul3A_421 = arith.constant 128 : i32
        %mul3A_422 = arith.muli %add3A_366, %mul3A_421 : i32
        %add3A_423 = arith.constant 64 : i32
        %add3A_424 = arith.addi %mul3A_422, %add3A_423 : i32
        %get3A_425 = arith.index_cast %add3A_424 : i32 to index
        %get3A_426 = tpu.vector_load %arg7[%get3A_425] {strides = array<i32>} : memref<16384xf32, #tpu.memory_space<vmem>>, vector<16xf32>,
        %get3A_427 = vector.shape_cast %get3A_426 : vector<16xf32> to vector<16xf32>
        %swap3A_428 = arith.constant 0 : i32
        %swap3A_429 = arith.index_cast %swap3A_428 : i32 to index
        %swap3A_430 = arith.index_cast %add3A_366 : i32 to index
        %swap3A_431 = arith.constant 64 : index
        %swap3A_432 = tpu.vector_load %arg8[%swap3A_429, %swap3A_430, %swap3A_431] {strides = array<i32>} : memref<4x128x128xf32, #tpu.memory_space<vmem>>, vector<1x1x16xf32>,
        %swap3A_433 = vector.shape_cast %swap3A_432 : vector<1x1x16xf32> to vector<16xf32>
        %swap3A_434 = vector.shape_cast %get3A_427 : vector<16xf32> to vector<1x1x16xf32>
        tpu.vector_store %arg8[%swap3A_429, %swap3A_430, %swap3A_431], %swap3A_434 {add = true, strides = array<i32>} : memref<4x128x128xf32, #tpu.memory_space<vmem>>, vector<1x1x16xf32>,
        %mul3A_435 = arith.constant 128 : i32
        %mul3A_436 = arith.muli %add3A_366, %mul3A_435 : i32
        %add3A_437 = arith.constant 80 : i32
        %add3A_438 = arith.addi %mul3A_436, %add3A_437 : i32
        %get3A_439 = arith.index_cast %add3A_438 : i32 to index
        %get3A_440 = tpu.vector_load %arg7[%get3A_439] {strides = array<i32>} : memref<16384xf32, #tpu.memory_space<vmem>>, vector<16xf32>,
        %get3A_441 = vector.shape_cast %get3A_440 : vector<16xf32> to vector<16xf32>
        %swap3A_442 = arith.constant 0 : i32
        %swap3A_443 = arith.index_cast %swap3A_442 : i32 to index
        %swap3A_444 = arith.index_cast %add3A_366 : i32 to index
        %swap3A_445 = arith.constant 80 : index
        %swap3A_446 = tpu.vector_load %arg8[%swap3A_443, %swap3A_444, %swap3A_445] {strides = array<i32>} : memref<4x128x128xf32, #tpu.memory_space<vmem>>, vector<1x1x16xf32>,
        %swap3A_447 = vector.shape_cast %swap3A_446 : vector<1x1x16xf32> to vector<16xf32>
        %swap3A_448 = vector.shape_cast %get3A_441 : vector<16xf32> to vector<1x1x16xf32>
        tpu.vector_store %arg8[%swap3A_443, %swap3A_444, %swap3A_445], %swap3A_448 {add = true, strides = array<i32>} : memref<4x128x128xf32, #tpu.memory_space<vmem>>, vector<1x1x16xf32>,
        %mul3A_449 = arith.constant 128 : i32
        %mul3A_450 = arith.muli %add3A_366, %mul3A_449 : i32
        %add3A_451 = arith.constant 96 : i32
        %add3A_452 = arith.addi %mul3A_450, %add3A_451 : i32
        %get3A_453 = arith.index_cast %add3A_452 : i32 to index
        %get3A_454 = tpu.vector_load %arg7[%get3A_453] {strides = array<i32>} : memref<16384xf32, #tpu.memory_space<vmem>>, vector<16xf32>,
        %get3A_455 = vector.shape_cast %get3A_454 : vector<16xf32> to vector<16xf32>
        %swap3A_456 = arith.constant 0 : i32
        %swap3A_457 = arith.index_cast %swap3A_456 : i32 to index
        %swap3A_458 = arith.index_cast %add3A_366 : i32 to index
        %swap3A_459 = arith.constant 96 : index
        %swap3A_460 = tpu.vector_load %arg8[%swap3A_457, %swap3A_458, %swap3A_459] {strides = array<i32>} : memref<4x128x128xf32, #tpu.memory_space<vmem>>, vector<1x1x16xf32>,
        %swap3A_461 = vector.shape_cast %swap3A_460 : vector<1x1x16xf32> to vector<16xf32>
        %swap3A_462 = vector.shape_cast %get3A_455 : vector<16xf32> to vector<1x1x16xf32>
        tpu.vector_store %arg8[%swap3A_457, %swap3A_458, %swap3A_459], %swap3A_462 {add = true, strides = array<i32>} : memref<4x128x128xf32, #tpu.memory_space<vmem>>, vector<1x1x16xf32>,
        %mul3A_463 = arith.constant 128 : i32
        %mul3A_464 = arith.muli %add3A_366, %mul3A_463 : i32
        %add3A_465 = arith.constant 112 : i32
        %add3A_466 = arith.addi %mul3A_464, %add3A_465 : i32
        %get3A_467 = arith.index_cast %add3A_466 : i32 to index
        %get3A_468 = tpu.vector_load %arg7[%get3A_467] {strides = array<i32>} : memref<16384xf32, #tpu.memory_space<vmem>>, vector<16xf32>,
        %get3A_469 = vector.shape_cast %get3A_468 : vector<16xf32> to vector<16xf32>
        %swap3A_470 = arith.constant 0 : i32
        %swap3A_471 = arith.index_cast %swap3A_470 : i32 to index
        %swap3A_472 = arith.index_cast %add3A_366 : i32 to index
        %swap3A_473 = arith.constant 112 : index
        %swap3A_474 = tpu.vector_load %arg8[%swap3A_471, %swap3A_472, %swap3A_473] {strides = array<i32>} : memref<4x128x128xf32, #tpu.memory_space<vmem>>, vector<1x1x16xf32>,
        %swap3A_475 = vector.shape_cast %swap3A_474 : vector<1x1x16xf32> to vector<16xf32>
        %swap3A_476 = vector.shape_cast %get3A_469 : vector<16xf32> to vector<1x1x16xf32>
        tpu.vector_store %arg8[%swap3A_471, %swap3A_472, %swap3A_473], %swap3A_476 {add = true, strides = array<i32>} : memref<4x128x128xf32, #tpu.memory_space<vmem>>, vector<1x1x16xf32>,
      }
      %scan3A_185 = arith.constant 128 : i32
      %add3A_186 = arith.addi %mul3A_32, %add3A_156 : i32
      %mul3A_187 = arith.constant 2048 : i32
      %mul3A_188 = arith.muli %add3A_186, %mul3A_187 : i32
      %add3A_189 = arith.addi %mul3A_188, %mul3A_34 : i32
      %dma_start3A_190 = arith.constant 0 : i32
      %dma_start3A_191 = arith.constant 0 : i32
      %dma_start3A_192 = arith.constant 0 : i32
      %dma_start3A_193 = tpu.memref_slice %arg8[%dma_start3A_190, %dma_start3A_191, %dma_start3A_192] : memref<4x128x128xf32, #tpu.memory_space<vmem>> -> memref<1x128x128xf32, #tpu.memory_space<vmem>>
      %dma_start3A_194 = tpu.memref_squeeze %dma_start3A_193 : memref<1x128x128xf32, #tpu.memory_space<vmem>> -> memref<128x128xf32, #tpu.memory_space<vmem>>
      %dma_start3A_195 = arith.constant 0 : i32
      %dma_start3A_196 = tpu.memref_slice %arg5[%add3A_189, %dma_start3A_195] : memref<65536x128xf32, #tpu.memory_space<hbm>> -> memref<128x128xf32, #tpu.memory_space<hbm>>
      %dma_start3A_197 = arith.constant 0 : i32
      %dma_start3A_198 = tpu.memref_slice %arg5[%add3A_189, %dma_start3A_197] : memref<65536x128xf32, #tpu.memory_space<hbm>> -> memref<128x128xf32, #tpu.memory_space<hbm>>
      %dma_start3A_199 = arith.constant 0 : i32
      %dma_start3A_200 = arith.constant 0 : i32
      %dma_start3A_201 = tpu.memref_slice %arg8[%dma_start3A_190, %dma_start3A_199, %dma_start3A_200] : memref<4x128x128xf32, #tpu.memory_space<vmem>> -> memref<1x128x128xf32, #tpu.memory_space<vmem>>
      %dma_start3A_202 = tpu.memref_squeeze %dma_start3A_201 : memref<1x128x128xf32, #tpu.memory_space<vmem>> -> memref<128x128xf32, #tpu.memory_space<vmem>>
      tpu.enqueue_dma source(%dma_start3A_202 : memref<128x128xf32, #tpu.memory_space<vmem>>) target(%dma_start3A_198 : memref<128x128xf32, #tpu.memory_space<hbm>>) target_semaphore(%arg13 : memref<!tpu.dma_semaphore, #tpu.memory_space<semaphore_mem>>)
      %mul3A_203 = arith.constant 4 : i32
      %mul3A_204 = arith.muli %mul3A_203, %scan3A_152 : i32
      %add3A_205 = arith.constant 1 : i32
      %add3A_206 = arith.addi %mul3A_204, %add3A_205 : i32
      %sub3A_207 = arith.constant 2 : i32
      %sub3A_208 = arith.subi %add3A_206, %sub3A_207 : i32
      %ge3A_209 = arith.constant 0 : i32
      %ge3A_210 = arith.cmpi sge, %sub3A_208, %ge3A_209 : i32
      %add3A_211 = arith.constant 4 : i32
      %add3A_212 = arith.addi %sub3A_208, %add3A_211 : i32
      %lt3A_213 = arith.constant 16 : i32
      %lt3A_214 = arith.cmpi slt, %add3A_212, %lt3A_213 : i32
      %and3A_215 = arith.andi %ge3A_210, %lt3A_214 : i1
      %convert_element_type3A_216 = arith.extui %and3A_215 : i1 to i32
      %cond3A_217 = arith.constant 0 : i32
      %cond3A_218 = arith.cmpi ne, %convert_element_type3A_216, %cond3A_217 : i32
      scf.if %cond3A_218 {
        %dma_wait3A_362 = arith.constant 3 : i32
        %dma_wait3A_363 = arith.constant 0 : i32
        %dma_wait3A_364 = arith.constant 0 : i32
        %dma_wait3A_365 = tpu.memref_slice %arg8[%dma_wait3A_362, %dma_wait3A_363, %dma_wait3A_364] : memref<4x128x128xf32, #tpu.memory_space<vmem>> -> memref<1x128x128xf32, #tpu.memory_space<vmem>>
        %dma_wait3A_366 = tpu.memref_squeeze %dma_wait3A_365 : memref<1x128x128xf32, #tpu.memory_space<vmem>> -> memref<128x128xf32, #tpu.memory_space<vmem>>
        %dma_wait3A_367 = arith.constant 0 : i32
        %dma_wait3A_368 = arith.constant 0 : i32
        %dma_wait3A_369 = tpu.memref_slice %arg5[%dma_wait3A_367, %dma_wait3A_368] : memref<65536x128xf32, #tpu.memory_space<hbm>> -> memref<128x128xf32, #tpu.memory_space<hbm>>
        %dma_wait3A_370 = arith.constant 0 : i32
        %dma_wait3A_371 = arith.constant 0 : i32
        %dma_wait3A_372 = tpu.memref_slice %arg5[%dma_wait3A_370, %dma_wait3A_371] : memref<65536x128xf32, #tpu.memory_space<hbm>> -> memref<128x128xf32, #tpu.memory_space<hbm>>
        %dma_wait3A_373 = arith.constant 0 : i32
        %dma_wait3A_374 = arith.constant 0 : i32
        %dma_wait3A_375 = tpu.memref_slice %arg8[%dma_wait3A_362, %dma_wait3A_373, %dma_wait3A_374] : memref<4x128x128xf32, #tpu.memory_space<vmem>> -> memref<1x128x128xf32, #tpu.memory_space<vmem>>
        %dma_wait3A_376 = tpu.memref_squeeze %dma_wait3A_375 : memref<1x128x128xf32, #tpu.memory_space<vmem>> -> memref<128x128xf32, #tpu.memory_space<vmem>>
        tpu.wait_dma2 semaphore(%arg16 : memref<!tpu.dma_semaphore, #tpu.memory_space<semaphore_mem>>) src(%dma_wait3A_376 : memref<128x128xf32, #tpu.memory_space<vmem>>) dst(%dma_wait3A_372 : memref<128x128xf32, #tpu.memory_space<hbm>>)
        %add3A_377 = arith.constant 4 : i32
        %add3A_378 = arith.addi %sub3A_208, %add3A_377 : i32
        %dma_start3A_379 = arith.constant 3 : i32
        %dma_start3A_380 = arith.constant 0 : i32
        %dma_start3A_381 = arith.constant 0 : i32
        %dma_start3A_382 = tpu.memref_slice %arg8[%dma_start3A_379, %dma_start3A_380, %dma_start3A_381] : memref<4x128x128xf32, #tpu.memory_space<vmem>> -> memref<1x128x128xf32, #tpu.memory_space<vmem>>
        %dma_start3A_383 = tpu.memref_squeeze %dma_start3A_382 : memref<1x128x128xf32, #tpu.memory_space<vmem>> -> memref<128x128xf32, #tpu.memory_space<vmem>>
        %dma_start3A_384 = arith.constant 0 : i32
        %dma_start3A_385 = tpu.memref_slice %arg6[%add3A_378, %dma_start3A_384] : memref<16x128xi32, #tpu.memory_space<vmem>> -> memref<1x128xi32, #tpu.memory_space<vmem>>
        %dma_start3A_386 = tpu.memref_squeeze %dma_start3A_385 : memref<1x128xi32, #tpu.memory_space<vmem>> -> memref<128xi32, #tpu.memory_space<vmem>>
        %dma_start3A_387 = arith.constant 0 : i32
        %dma_start3A_388 = arith.constant 0 : i32
        %dma_start3A_389 = tpu.memref_slice %arg3[%dma_start3A_387, %dma_start3A_388] : memref<100000x128xf32, #tpu.memory_space<hbm>> -> memref<100000x128xf32, #tpu.memory_space<hbm>>
        tpu.enqueue_indirect_dma source(%dma_start3A_389 : memref<100000x128xf32, #tpu.memory_space<hbm>>) target(%dma_start3A_383 : memref<128x128xf32, #tpu.memory_space<vmem>>) offsets(%dma_start3A_386 : memref<128xi32, #tpu.memory_space<vmem>>) semaphore(%arg12 : memref<!tpu.dma_semaphore, #tpu.memory_space<semaphore_mem>>)
      } else {
      }
      %dma_wait3A_219 = arith.constant 1 : i32
      %dma_wait3A_220 = arith.constant 0 : i32
      %dma_wait3A_221 = arith.constant 0 : i32
      %dma_wait3A_222 = tpu.memref_slice %arg8[%dma_wait3A_219, %dma_wait3A_220, %dma_wait3A_221] : memref<4x128x128xf32, #tpu.memory_space<vmem>> -> memref<1x128x128xf32, #tpu.memory_space<vmem>>
      %dma_wait3A_223 = tpu.memref_squeeze %dma_wait3A_222 : memref<1x128x128xf32, #tpu.memory_space<vmem>> -> memref<128x128xf32, #tpu.memory_space<vmem>>
      %dma_wait3A_224 = arith.constant 0 : i32
      %dma_wait3A_225 = arith.constant 0 : i32
      %dma_wait3A_226 = tpu.memref_slice %arg3[%dma_wait3A_224, %dma_wait3A_225] : memref<100000x128xf32, #tpu.memory_space<hbm>> -> memref<128x128xf32, #tpu.memory_space<hbm>>
      %dma_wait3A_227 = arith.constant 0 : i32
      %dma_wait3A_228 = arith.constant 0 : i32
      %dma_wait3A_229 = tpu.memref_slice %arg8[%dma_wait3A_219, %dma_wait3A_227, %dma_wait3A_228] : memref<4x128x128xf32, #tpu.memory_space<vmem>> -> memref<1x128x128xf32, #tpu.memory_space<vmem>>
      %dma_wait3A_230 = tpu.memref_squeeze %dma_wait3A_229 : memref<1x128x128xf32, #tpu.memory_space<vmem>> -> memref<128x128xf32, #tpu.memory_space<vmem>>
      %dma_wait3A_231 = arith.constant 0 : i32
      %dma_wait3A_232 = arith.constant 0 : i32
      %dma_wait3A_233 = tpu.memref_slice %arg3[%dma_wait3A_231, %dma_wait3A_232] : memref<100000x128xf32, #tpu.memory_space<hbm>> -> memref<128x128xf32, #tpu.memory_space<hbm>>
      tpu.wait_dma2 semaphore(%arg10 : memref<!tpu.dma_semaphore, #tpu.memory_space<semaphore_mem>>) src(%dma_wait3A_233 : memref<128x128xf32, #tpu.memory_space<hbm>>) dst(%dma_wait3A_230 : memref<128x128xf32, #tpu.memory_space<vmem>>)
      %scan3A_234 = arith.constant 0 : i32
      %scan3A_235 = arith.constant 128 : i32
      %scan3A_236 = arith.addi %scan3A_234, %scan3A_235 : i32
      %scan3A_237 = arith.constant 1 : i32
      scf.for %scan3A_362 = %scan3A_234 to %scan3A_236 step %scan3A_237  : i32 {
        %mul3A_363 = arith.constant 1 : i32
        %mul3A_364 = arith.muli %scan3A_362, %mul3A_363 : i32
        %add3A_365 = arith.constant 0 : i32
        %add3A_366 = arith.addi %add3A_365, %mul3A_364 : i32
        %mul3A_367 = arith.constant 128 : i32
        %mul3A_368 = arith.muli %add3A_366, %mul3A_367 : i32
        %add3A_369 = arith.constant 0 : i32
        %add3A_370 = arith.addi %mul3A_368, %add3A_369 : i32
        %get3A = arith.index_cast %add3A_370 : i32 to index
        %get3A_371 = tpu.vector_load %arg7[%get3A] {strides = array<i32>} : memref<16384xf32, #tpu.memory_space<vmem>>, vector<16xf32>,
        %get3A_372 = vector.shape_cast %get3A_371 : vector<16xf32> to vector<16xf32>
        %swap3A = arith.constant 1 : i32
        %swap3A_373 = arith.index_cast %swap3A : i32 to index
        %swap3A_374 = arith.index_cast %add3A_366 : i32 to index
        %swap3A_375 = arith.constant 0 : index
        %swap3A_376 = tpu.vector_load %arg8[%swap3A_373, %swap3A_374, %swap3A_375] {strides = array<i32>} : memref<4x128x128xf32, #tpu.memory_space<vmem>>, vector<1x1x16xf32>,
        %swap3A_377 = vector.shape_cast %swap3A_376 : vector<1x1x16xf32> to vector<16xf32>
        %swap3A_378 = vector.shape_cast %get3A_372 : vector<16xf32> to vector<1x1x16xf32>
        tpu.vector_store %arg8[%swap3A_373, %swap3A_374, %swap3A_375], %swap3A_378 {add = true, strides = array<i32>} : memref<4x128x128xf32, #tpu.memory_space<vmem>>, vector<1x1x16xf32>,
        %mul3A_379 = arith.constant 128 : i32
        %mul3A_380 = arith.muli %add3A_366, %mul3A_379 : i32
        %add3A_381 = arith.constant 16 : i32
        %add3A_382 = arith.addi %mul3A_380, %add3A_381 : i32
        %get3A_383 = arith.index_cast %add3A_382 : i32 to index
        %get3A_384 = tpu.vector_load %arg7[%get3A_383] {strides = array<i32>} : memref<16384xf32, #tpu.memory_space<vmem>>, vector<16xf32>,
        %get3A_385 = vector.shape_cast %get3A_384 : vector<16xf32> to vector<16xf32>
        %swap3A_386 = arith.constant 1 : i32
        %swap3A_387 = arith.index_cast %swap3A_386 : i32 to index
        %swap3A_388 = arith.index_cast %add3A_366 : i32 to index
        %swap3A_389 = arith.constant 16 : index
        %swap3A_390 = tpu.vector_load %arg8[%swap3A_387, %swap3A_388, %swap3A_389] {strides = array<i32>} : memref<4x128x128xf32, #tpu.memory_space<vmem>>, vector<1x1x16xf32>,
        %swap3A_391 = vector.shape_cast %swap3A_390 : vector<1x1x16xf32> to vector<16xf32>
        %swap3A_392 = vector.shape_cast %get3A_385 : vector<16xf32> to vector<1x1x16xf32>
        tpu.vector_store %arg8[%swap3A_387, %swap3A_388, %swap3A_389], %swap3A_392 {add = true, strides = array<i32>} : memref<4x128x128xf32, #tpu.memory_space<vmem>>, vector<1x1x16xf32>,
        %mul3A_393 = arith.constant 128 : i32
        %mul3A_394 = arith.muli %add3A_366, %mul3A_393 : i32
        %add3A_395 = arith.constant 32 : i32
        %add3A_396 = arith.addi %mul3A_394, %add3A_395 : i32
        %get3A_397 = arith.index_cast %add3A_396 : i32 to index
        %get3A_398 = tpu.vector_load %arg7[%get3A_397] {strides = array<i32>} : memref<16384xf32, #tpu.memory_space<vmem>>, vector<16xf32>,
        %get3A_399 = vector.shape_cast %get3A_398 : vector<16xf32> to vector<16xf32>
        %swap3A_400 = arith.constant 1 : i32
        %swap3A_401 = arith.index_cast %swap3A_400 : i32 to index
        %swap3A_402 = arith.index_cast %add3A_366 : i32 to index
        %swap3A_403 = arith.constant 32 : index
        %swap3A_404 = tpu.vector_load %arg8[%swap3A_401, %swap3A_402, %swap3A_403] {strides = array<i32>} : memref<4x128x128xf32, #tpu.memory_space<vmem>>, vector<1x1x16xf32>,
        %swap3A_405 = vector.shape_cast %swap3A_404 : vector<1x1x16xf32> to vector<16xf32>
        %swap3A_406 = vector.shape_cast %get3A_399 : vector<16xf32> to vector<1x1x16xf32>
        tpu.vector_store %arg8[%swap3A_401, %swap3A_402, %swap3A_403], %swap3A_406 {add = true, strides = array<i32>} : memref<4x128x128xf32, #tpu.memory_space<vmem>>, vector<1x1x16xf32>,
        %mul3A_407 = arith.constant 128 : i32
        %mul3A_408 = arith.muli %add3A_366, %mul3A_407 : i32
        %add3A_409 = arith.constant 48 : i32
        %add3A_410 = arith.addi %mul3A_408, %add3A_409 : i32
        %get3A_411 = arith.index_cast %add3A_410 : i32 to index
        %get3A_412 = tpu.vector_load %arg7[%get3A_411] {strides = array<i32>} : memref<16384xf32, #tpu.memory_space<vmem>>, vector<16xf32>,
        %get3A_413 = vector.shape_cast %get3A_412 : vector<16xf32> to vector<16xf32>
        %swap3A_414 = arith.constant 1 : i32
        %swap3A_415 = arith.index_cast %swap3A_414 : i32 to index
        %swap3A_416 = arith.index_cast %add3A_366 : i32 to index
        %swap3A_417 = arith.constant 48 : index
        %swap3A_418 = tpu.vector_load %arg8[%swap3A_415, %swap3A_416, %swap3A_417] {strides = array<i32>} : memref<4x128x128xf32, #tpu.memory_space<vmem>>, vector<1x1x16xf32>,
        %swap3A_419 = vector.shape_cast %swap3A_418 : vector<1x1x16xf32> to vector<16xf32>
        %swap3A_420 = vector.shape_cast %get3A_413 : vector<16xf32> to vector<1x1x16xf32>
        tpu.vector_store %arg8[%swap3A_415, %swap3A_416, %swap3A_417], %swap3A_420 {add = true, strides = array<i32>} : memref<4x128x128xf32, #tpu.memory_space<vmem>>, vector<1x1x16xf32>,
        %mul3A_421 = arith.constant 128 : i32
        %mul3A_422 = arith.muli %add3A_366, %mul3A_421 : i32
        %add3A_423 = arith.constant 64 : i32
        %add3A_424 = arith.addi %mul3A_422, %add3A_423 : i32
        %get3A_425 = arith.index_cast %add3A_424 : i32 to index
        %get3A_426 = tpu.vector_load %arg7[%get3A_425] {strides = array<i32>} : memref<16384xf32, #tpu.memory_space<vmem>>, vector<16xf32>,
        %get3A_427 = vector.shape_cast %get3A_426 : vector<16xf32> to vector<16xf32>
        %swap3A_428 = arith.constant 1 : i32
        %swap3A_429 = arith.index_cast %swap3A_428 : i32 to index
        %swap3A_430 = arith.index_cast %add3A_366 : i32 to index
        %swap3A_431 = arith.constant 64 : index
        %swap3A_432 = tpu.vector_load %arg8[%swap3A_429, %swap3A_430, %swap3A_431] {strides = array<i32>} : memref<4x128x128xf32, #tpu.memory_space<vmem>>, vector<1x1x16xf32>,
        %swap3A_433 = vector.shape_cast %swap3A_432 : vector<1x1x16xf32> to vector<16xf32>
        %swap3A_434 = vector.shape_cast %get3A_427 : vector<16xf32> to vector<1x1x16xf32>
        tpu.vector_store %arg8[%swap3A_429, %swap3A_430, %swap3A_431], %swap3A_434 {add = true, strides = array<i32>} : memref<4x128x128xf32, #tpu.memory_space<vmem>>, vector<1x1x16xf32>,
        %mul3A_435 = arith.constant 128 : i32
        %mul3A_436 = arith.muli %add3A_366, %mul3A_435 : i32
        %add3A_437 = arith.constant 80 : i32
        %add3A_438 = arith.addi %mul3A_436, %add3A_437 : i32
        %get3A_439 = arith.index_cast %add3A_438 : i32 to index
        %get3A_440 = tpu.vector_load %arg7[%get3A_439] {strides = array<i32>} : memref<16384xf32, #tpu.memory_space<vmem>>, vector<16xf32>,
        %get3A_441 = vector.shape_cast %get3A_440 : vector<16xf32> to vector<16xf32>
        %swap3A_442 = arith.constant 1 : i32
        %swap3A_443 = arith.index_cast %swap3A_442 : i32 to index
        %swap3A_444 = arith.index_cast %add3A_366 : i32 to index
        %swap3A_445 = arith.constant 80 : index
        %swap3A_446 = tpu.vector_load %arg8[%swap3A_443, %swap3A_444, %swap3A_445] {strides = array<i32>} : memref<4x128x128xf32, #tpu.memory_space<vmem>>, vector<1x1x16xf32>,
        %swap3A_447 = vector.shape_cast %swap3A_446 : vector<1x1x16xf32> to vector<16xf32>
        %swap3A_448 = vector.shape_cast %get3A_441 : vector<16xf32> to vector<1x1x16xf32>
        tpu.vector_store %arg8[%swap3A_443, %swap3A_444, %swap3A_445], %swap3A_448 {add = true, strides = array<i32>} : memref<4x128x128xf32, #tpu.memory_space<vmem>>, vector<1x1x16xf32>,
        %mul3A_449 = arith.constant 128 : i32
        %mul3A_450 = arith.muli %add3A_366, %mul3A_449 : i32
        %add3A_451 = arith.constant 96 : i32
        %add3A_452 = arith.addi %mul3A_450, %add3A_451 : i32
        %get3A_453 = arith.index_cast %add3A_452 : i32 to index
        %get3A_454 = tpu.vector_load %arg7[%get3A_453] {strides = array<i32>} : memref<16384xf32, #tpu.memory_space<vmem>>, vector<16xf32>,
        %get3A_455 = vector.shape_cast %get3A_454 : vector<16xf32> to vector<16xf32>
        %swap3A_456 = arith.constant 1 : i32
        %swap3A_457 = arith.index_cast %swap3A_456 : i32 to index
        %swap3A_458 = arith.index_cast %add3A_366 : i32 to index
        %swap3A_459 = arith.constant 96 : index
        %swap3A_460 = tpu.vector_load %arg8[%swap3A_457, %swap3A_458, %swap3A_459] {strides = array<i32>} : memref<4x128x128xf32, #tpu.memory_space<vmem>>, vector<1x1x16xf32>,
        %swap3A_461 = vector.shape_cast %swap3A_460 : vector<1x1x16xf32> to vector<16xf32>
        %swap3A_462 = vector.shape_cast %get3A_455 : vector<16xf32> to vector<1x1x16xf32>
        tpu.vector_store %arg8[%swap3A_457, %swap3A_458, %swap3A_459], %swap3A_462 {add = true, strides = array<i32>} : memref<4x128x128xf32, #tpu.memory_space<vmem>>, vector<1x1x16xf32>,
        %mul3A_463 = arith.constant 128 : i32
        %mul3A_464 = arith.muli %add3A_366, %mul3A_463 : i32
        %add3A_465 = arith.constant 112 : i32
        %add3A_466 = arith.addi %mul3A_464, %add3A_465 : i32
        %get3A_467 = arith.index_cast %add3A_466 : i32 to index
        %get3A_468 = tpu.vector_load %arg7[%get3A_467] {strides = array<i32>} : memref<16384xf32, #tpu.memory_space<vmem>>, vector<16xf32>,
        %get3A_469 = vector.shape_cast %get3A_468 : vector<16xf32> to vector<16xf32>
        %swap3A_470 = arith.constant 1 : i32
        %swap3A_471 = arith.index_cast %swap3A_470 : i32 to index
        %swap3A_472 = arith.index_cast %add3A_366 : i32 to index
        %swap3A_473 = arith.constant 112 : index
        %swap3A_474 = tpu.vector_load %arg8[%swap3A_471, %swap3A_472, %swap3A_473] {strides = array<i32>} : memref<4x128x128xf32, #tpu.memory_space<vmem>>, vector<1x1x16xf32>,
        %swap3A_475 = vector.shape_cast %swap3A_474 : vector<1x1x16xf32> to vector<16xf32>
        %swap3A_476 = vector.shape_cast %get3A_469 : vector<16xf32> to vector<1x1x16xf32>
        tpu.vector_store %arg8[%swap3A_471, %swap3A_472, %swap3A_473], %swap3A_476 {add = true, strides = array<i32>} : memref<4x128x128xf32, #tpu.memory_space<vmem>>, vector<1x1x16xf32>,
      }
      %scan3A_238 = arith.constant 128 : i32
      %add3A_239 = arith.addi %mul3A_32, %add3A_206 : i32
      %mul3A_240 = arith.constant 2048 : i32
      %mul3A_241 = arith.muli %add3A_239, %mul3A_240 : i32
      %add3A_242 = arith.addi %mul3A_241, %mul3A_34 : i32
      %dma_start3A_243 = arith.constant 1 : i32
      %dma_start3A_244 = arith.constant 0 : i32
      %dma_start3A_245 = arith.constant 0 : i32
      %dma_start3A_246 = tpu.memref_slice %arg8[%dma_start3A_243, %dma_start3A_244, %dma_start3A_245] : memref<4x128x128xf32, #tpu.memory_space<vmem>> -> memref<1x128x128xf32, #tpu.memory_space<vmem>>
      %dma_start3A_247 = tpu.memref_squeeze %dma_start3A_246 : memref<1x128x128xf32, #tpu.memory_space<vmem>> -> memref<128x128xf32, #tpu.memory_space<vmem>>
      %dma_start3A_248 = arith.constant 0 : i32
      %dma_start3A_249 = tpu.memref_slice %arg5[%add3A_242, %dma_start3A_248] : memref<65536x128xf32, #tpu.memory_space<hbm>> -> memref<128x128xf32, #tpu.memory_space<hbm>>
      %dma_start3A_250 = arith.constant 0 : i32
      %dma_start3A_251 = tpu.memref_slice %arg5[%add3A_242, %dma_start3A_250] : memref<65536x128xf32, #tpu.memory_space<hbm>> -> memref<128x128xf32, #tpu.memory_space<hbm>>
      %dma_start3A_252 = arith.constant 0 : i32
      %dma_start3A_253 = arith.constant 0 : i32
      %dma_start3A_254 = tpu.memref_slice %arg8[%dma_start3A_243, %dma_start3A_252, %dma_start3A_253] : memref<4x128x128xf32, #tpu.memory_space<vmem>> -> memref<1x128x128xf32, #tpu.memory_space<vmem>>
      %dma_start3A_255 = tpu.memref_squeeze %dma_start3A_254 : memref<1x128x128xf32, #tpu.memory_space<vmem>> -> memref<128x128xf32, #tpu.memory_space<vmem>>
      tpu.enqueue_dma source(%dma_start3A_255 : memref<128x128xf32, #tpu.memory_space<vmem>>) target(%dma_start3A_251 : memref<128x128xf32, #tpu.memory_space<hbm>>) target_semaphore(%arg14 : memref<!tpu.dma_semaphore, #tpu.memory_space<semaphore_mem>>)
      %mul3A_256 = arith.constant 4 : i32
      %mul3A_257 = arith.muli %mul3A_256, %scan3A_152 : i32
      %add3A_258 = arith.constant 2 : i32
      %add3A_259 = arith.addi %mul3A_257, %add3A_258 : i32
      %sub3A_260 = arith.constant 2 : i32
      %sub3A_261 = arith.subi %add3A_259, %sub3A_260 : i32
      %ge3A_262 = arith.constant 0 : i32
      %ge3A_263 = arith.cmpi sge, %sub3A_261, %ge3A_262 : i32
      %add3A_264 = arith.constant 4 : i32
      %add3A_265 = arith.addi %sub3A_261, %add3A_264 : i32
      %lt3A_266 = arith.constant 16 : i32
      %lt3A_267 = arith.cmpi slt, %add3A_265, %lt3A_266 : i32
      %and3A_268 = arith.andi %ge3A_263, %lt3A_267 : i1
      %convert_element_type3A_269 = arith.extui %and3A_268 : i1 to i32
      %cond3A_270 = arith.constant 0 : i32
      %cond3A_271 = arith.cmpi ne, %convert_element_type3A_269, %cond3A_270 : i32
      scf.if %cond3A_271 {
        %dma_wait3A_362 = arith.constant 0 : i32
        %dma_wait3A_363 = arith.constant 0 : i32
        %dma_wait3A_364 = arith.constant 0 : i32
        %dma_wait3A_365 = tpu.memref_slice %arg8[%dma_wait3A_362, %dma_wait3A_363, %dma_wait3A_364] : memref<4x128x128xf32, #tpu.memory_space<vmem>> -> memref<1x128x128xf32, #tpu.memory_space<vmem>>
        %dma_wait3A_366 = tpu.memref_squeeze %dma_wait3A_365 : memref<1x128x128xf32, #tpu.memory_space<vmem>> -> memref<128x128xf32, #tpu.memory_space<vmem>>
        %dma_wait3A_367 = arith.constant 0 : i32
        %dma_wait3A_368 = arith.constant 0 : i32
        %dma_wait3A_369 = tpu.memref_slice %arg5[%dma_wait3A_367, %dma_wait3A_368] : memref<65536x128xf32, #tpu.memory_space<hbm>> -> memref<128x128xf32, #tpu.memory_space<hbm>>
        %dma_wait3A_370 = arith.constant 0 : i32
        %dma_wait3A_371 = arith.constant 0 : i32
        %dma_wait3A_372 = tpu.memref_slice %arg5[%dma_wait3A_370, %dma_wait3A_371] : memref<65536x128xf32, #tpu.memory_space<hbm>> -> memref<128x128xf32, #tpu.memory_space<hbm>>
        %dma_wait3A_373 = arith.constant 0 : i32
        %dma_wait3A_374 = arith.constant 0 : i32
        %dma_wait3A_375 = tpu.memref_slice %arg8[%dma_wait3A_362, %dma_wait3A_373, %dma_wait3A_374] : memref<4x128x128xf32, #tpu.memory_space<vmem>> -> memref<1x128x128xf32, #tpu.memory_space<vmem>>
        %dma_wait3A_376 = tpu.memref_squeeze %dma_wait3A_375 : memref<1x128x128xf32, #tpu.memory_space<vmem>> -> memref<128x128xf32, #tpu.memory_space<vmem>>
        tpu.wait_dma2 semaphore(%arg13 : memref<!tpu.dma_semaphore, #tpu.memory_space<semaphore_mem>>) src(%dma_wait3A_376 : memref<128x128xf32, #tpu.memory_space<vmem>>) dst(%dma_wait3A_372 : memref<128x128xf32, #tpu.memory_space<hbm>>)
        %add3A_377 = arith.constant 4 : i32
        %add3A_378 = arith.addi %sub3A_261, %add3A_377 : i32
        %dma_start3A_379 = arith.constant 0 : i32
        %dma_start3A_380 = arith.constant 0 : i32
        %dma_start3A_381 = arith.constant 0 : i32
        %dma_start3A_382 = tpu.memref_slice %arg8[%dma_start3A_379, %dma_start3A_380, %dma_start3A_381] : memref<4x128x128xf32, #tpu.memory_space<vmem>> -> memref<1x128x128xf32, #tpu.memory_space<vmem>>
        %dma_start3A_383 = tpu.memref_squeeze %dma_start3A_382 : memref<1x128x128xf32, #tpu.memory_space<vmem>> -> memref<128x128xf32, #tpu.memory_space<vmem>>
        %dma_start3A_384 = arith.constant 0 : i32
        %dma_start3A_385 = tpu.memref_slice %arg6[%add3A_378, %dma_start3A_384] : memref<16x128xi32, #tpu.memory_space<vmem>> -> memref<1x128xi32, #tpu.memory_space<vmem>>
        %dma_start3A_386 = tpu.memref_squeeze %dma_start3A_385 : memref<1x128xi32, #tpu.memory_space<vmem>> -> memref<128xi32, #tpu.memory_space<vmem>>
        %dma_start3A_387 = arith.constant 0 : i32
        %dma_start3A_388 = arith.constant 0 : i32
        %dma_start3A_389 = tpu.memref_slice %arg3[%dma_start3A_387, %dma_start3A_388] : memref<100000x128xf32, #tpu.memory_space<hbm>> -> memref<100000x128xf32, #tpu.memory_space<hbm>>
        tpu.enqueue_indirect_dma source(%dma_start3A_389 : memref<100000x128xf32, #tpu.memory_space<hbm>>) target(%dma_start3A_383 : memref<128x128xf32, #tpu.memory_space<vmem>>) offsets(%dma_start3A_386 : memref<128xi32, #tpu.memory_space<vmem>>) semaphore(%arg9 : memref<!tpu.dma_semaphore, #tpu.memory_space<semaphore_mem>>)
      } else {
      }
      %dma_wait3A_272 = arith.constant 2 : i32
      %dma_wait3A_273 = arith.constant 0 : i32
      %dma_wait3A_274 = arith.constant 0 : i32
      %dma_wait3A_275 = tpu.memref_slice %arg8[%dma_wait3A_272, %dma_wait3A_273, %dma_wait3A_274] : memref<4x128x128xf32, #tpu.memory_space<vmem>> -> memref<1x128x128xf32, #tpu.memory_space<vmem>>
      %dma_wait3A_276 = tpu.memref_squeeze %dma_wait3A_275 : memref<1x128x128xf32, #tpu.memory_space<vmem>> -> memref<128x128xf32, #tpu.memory_space<vmem>>
      %dma_wait3A_277 = arith.constant 0 : i32
      %dma_wait3A_278 = arith.constant 0 : i32
      %dma_wait3A_279 = tpu.memref_slice %arg3[%dma_wait3A_277, %dma_wait3A_278] : memref<100000x128xf32, #tpu.memory_space<hbm>> -> memref<128x128xf32, #tpu.memory_space<hbm>>
      %dma_wait3A_280 = arith.constant 0 : i32
      %dma_wait3A_281 = arith.constant 0 : i32
      %dma_wait3A_282 = tpu.memref_slice %arg8[%dma_wait3A_272, %dma_wait3A_280, %dma_wait3A_281] : memref<4x128x128xf32, #tpu.memory_space<vmem>> -> memref<1x128x128xf32, #tpu.memory_space<vmem>>
      %dma_wait3A_283 = tpu.memref_squeeze %dma_wait3A_282 : memref<1x128x128xf32, #tpu.memory_space<vmem>> -> memref<128x128xf32, #tpu.memory_space<vmem>>
      %dma_wait3A_284 = arith.constant 0 : i32
      %dma_wait3A_285 = arith.constant 0 : i32
      %dma_wait3A_286 = tpu.memref_slice %arg3[%dma_wait3A_284, %dma_wait3A_285] : memref<100000x128xf32, #tpu.memory_space<hbm>> -> memref<128x128xf32, #tpu.memory_space<hbm>>
      tpu.wait_dma2 semaphore(%arg11 : memref<!tpu.dma_semaphore, #tpu.memory_space<semaphore_mem>>) src(%dma_wait3A_286 : memref<128x128xf32, #tpu.memory_space<hbm>>) dst(%dma_wait3A_283 : memref<128x128xf32, #tpu.memory_space<vmem>>)
      %scan3A_287 = arith.constant 0 : i32
      %scan3A_288 = arith.constant 128 : i32
      %scan3A_289 = arith.addi %scan3A_287, %scan3A_288 : i32
      %scan3A_290 = arith.constant 1 : i32
      scf.for %scan3A_362 = %scan3A_287 to %scan3A_289 step %scan3A_290  : i32 {
        %mul3A_363 = arith.constant 1 : i32
        %mul3A_364 = arith.muli %scan3A_362, %mul3A_363 : i32
        %add3A_365 = arith.constant 0 : i32
        %add3A_366 = arith.addi %add3A_365, %mul3A_364 : i32
        %mul3A_367 = arith.constant 128 : i32
        %mul3A_368 = arith.muli %add3A_366, %mul3A_367 : i32
        %add3A_369 = arith.constant 0 : i32
        %add3A_370 = arith.addi %mul3A_368, %add3A_369 : i32
        %get3A = arith.index_cast %add3A_370 : i32 to index
        %get3A_371 = tpu.vector_load %arg7[%get3A] {strides = array<i32>} : memref<16384xf32, #tpu.memory_space<vmem>>, vector<16xf32>,
        %get3A_372 = vector.shape_cast %get3A_371 : vector<16xf32> to vector<16xf32>
        %swap3A = arith.constant 2 : i32
        %swap3A_373 = arith.index_cast %swap3A : i32 to index
        %swap3A_374 = arith.index_cast %add3A_366 : i32 to index
        %swap3A_375 = arith.constant 0 : index
        %swap3A_376 = tpu.vector_load %arg8[%swap3A_373, %swap3A_374, %swap3A_375] {strides = array<i32>} : memref<4x128x128xf32, #tpu.memory_space<vmem>>, vector<1x1x16xf32>,
        %swap3A_377 = vector.shape_cast %swap3A_376 : vector<1x1x16xf32> to vector<16xf32>
        %swap3A_378 = vector.shape_cast %get3A_372 : vector<16xf32> to vector<1x1x16xf32>
        tpu.vector_store %arg8[%swap3A_373, %swap3A_374, %swap3A_375], %swap3A_378 {add = true, strides = array<i32>} : memref<4x128x128xf32, #tpu.memory_space<vmem>>, vector<1x1x16xf32>,
        %mul3A_379 = arith.constant 128 : i32
        %mul3A_380 = arith.muli %add3A_366, %mul3A_379 : i32
        %add3A_381 = arith.constant 16 : i32
        %add3A_382 = arith.addi %mul3A_380, %add3A_381 : i32
        %get3A_383 = arith.index_cast %add3A_382 : i32 to index
        %get3A_384 = tpu.vector_load %arg7[%get3A_383] {strides = array<i32>} : memref<16384xf32, #tpu.memory_space<vmem>>, vector<16xf32>,
        %get3A_385 = vector.shape_cast %get3A_384 : vector<16xf32> to vector<16xf32>
        %swap3A_386 = arith.constant 2 : i32
        %swap3A_387 = arith.index_cast %swap3A_386 : i32 to index
        %swap3A_388 = arith.index_cast %add3A_366 : i32 to index
        %swap3A_389 = arith.constant 16 : index
        %swap3A_390 = tpu.vector_load %arg8[%swap3A_387, %swap3A_388, %swap3A_389] {strides = array<i32>} : memref<4x128x128xf32, #tpu.memory_space<vmem>>, vector<1x1x16xf32>,
        %swap3A_391 = vector.shape_cast %swap3A_390 : vector<1x1x16xf32> to vector<16xf32>
        %swap3A_392 = vector.shape_cast %get3A_385 : vector<16xf32> to vector<1x1x16xf32>
        tpu.vector_store %arg8[%swap3A_387, %swap3A_388, %swap3A_389], %swap3A_392 {add = true, strides = array<i32>} : memref<4x128x128xf32, #tpu.memory_space<vmem>>, vector<1x1x16xf32>,
        %mul3A_393 = arith.constant 128 : i32
        %mul3A_394 = arith.muli %add3A_366, %mul3A_393 : i32
        %add3A_395 = arith.constant 32 : i32
        %add3A_396 = arith.addi %mul3A_394, %add3A_395 : i32
        %get3A_397 = arith.index_cast %add3A_396 : i32 to index
        %get3A_398 = tpu.vector_load %arg7[%get3A_397] {strides = array<i32>} : memref<16384xf32, #tpu.memory_space<vmem>>, vector<16xf32>,
        %get3A_399 = vector.shape_cast %get3A_398 : vector<16xf32> to vector<16xf32>
        %swap3A_400 = arith.constant 2 : i32
        %swap3A_401 = arith.index_cast %swap3A_400 : i32 to index
        %swap3A_402 = arith.index_cast %add3A_366 : i32 to index
        %swap3A_403 = arith.constant 32 : index
        %swap3A_404 = tpu.vector_load %arg8[%swap3A_401, %swap3A_402, %swap3A_403] {strides = array<i32>} : memref<4x128x128xf32, #tpu.memory_space<vmem>>, vector<1x1x16xf32>,
        %swap3A_405 = vector.shape_cast %swap3A_404 : vector<1x1x16xf32> to vector<16xf32>
        %swap3A_406 = vector.shape_cast %get3A_399 : vector<16xf32> to vector<1x1x16xf32>
        tpu.vector_store %arg8[%swap3A_401, %swap3A_402, %swap3A_403], %swap3A_406 {add = true, strides = array<i32>} : memref<4x128x128xf32, #tpu.memory_space<vmem>>, vector<1x1x16xf32>,
        %mul3A_407 = arith.constant 128 : i32
        %mul3A_408 = arith.muli %add3A_366, %mul3A_407 : i32
        %add3A_409 = arith.constant 48 : i32
        %add3A_410 = arith.addi %mul3A_408, %add3A_409 : i32
        %get3A_411 = arith.index_cast %add3A_410 : i32 to index
        %get3A_412 = tpu.vector_load %arg7[%get3A_411] {strides = array<i32>} : memref<16384xf32, #tpu.memory_space<vmem>>, vector<16xf32>,
        %get3A_413 = vector.shape_cast %get3A_412 : vector<16xf32> to vector<16xf32>
        %swap3A_414 = arith.constant 2 : i32
        %swap3A_415 = arith.index_cast %swap3A_414 : i32 to index
        %swap3A_416 = arith.index_cast %add3A_366 : i32 to index
        %swap3A_417 = arith.constant 48 : index
        %swap3A_418 = tpu.vector_load %arg8[%swap3A_415, %swap3A_416, %swap3A_417] {strides = array<i32>} : memref<4x128x128xf32, #tpu.memory_space<vmem>>, vector<1x1x16xf32>,
        %swap3A_419 = vector.shape_cast %swap3A_418 : vector<1x1x16xf32> to vector<16xf32>
        %swap3A_420 = vector.shape_cast %get3A_413 : vector<16xf32> to vector<1x1x16xf32>
        tpu.vector_store %arg8[%swap3A_415, %swap3A_416, %swap3A_417], %swap3A_420 {add = true, strides = array<i32>} : memref<4x128x128xf32, #tpu.memory_space<vmem>>, vector<1x1x16xf32>,
        %mul3A_421 = arith.constant 128 : i32
        %mul3A_422 = arith.muli %add3A_366, %mul3A_421 : i32
        %add3A_423 = arith.constant 64 : i32
        %add3A_424 = arith.addi %mul3A_422, %add3A_423 : i32
        %get3A_425 = arith.index_cast %add3A_424 : i32 to index
        %get3A_426 = tpu.vector_load %arg7[%get3A_425] {strides = array<i32>} : memref<16384xf32, #tpu.memory_space<vmem>>, vector<16xf32>,
        %get3A_427 = vector.shape_cast %get3A_426 : vector<16xf32> to vector<16xf32>
        %swap3A_428 = arith.constant 2 : i32
        %swap3A_429 = arith.index_cast %swap3A_428 : i32 to index
        %swap3A_430 = arith.index_cast %add3A_366 : i32 to index
        %swap3A_431 = arith.constant 64 : index
        %swap3A_432 = tpu.vector_load %arg8[%swap3A_429, %swap3A_430, %swap3A_431] {strides = array<i32>} : memref<4x128x128xf32, #tpu.memory_space<vmem>>, vector<1x1x16xf32>,
        %swap3A_433 = vector.shape_cast %swap3A_432 : vector<1x1x16xf32> to vector<16xf32>
        %swap3A_434 = vector.shape_cast %get3A_427 : vector<16xf32> to vector<1x1x16xf32>
        tpu.vector_store %arg8[%swap3A_429, %swap3A_430, %swap3A_431], %swap3A_434 {add = true, strides = array<i32>} : memref<4x128x128xf32, #tpu.memory_space<vmem>>, vector<1x1x16xf32>,
        %mul3A_435 = arith.constant 128 : i32
        %mul3A_436 = arith.muli %add3A_366, %mul3A_435 : i32
        %add3A_437 = arith.constant 80 : i32
        %add3A_438 = arith.addi %mul3A_436, %add3A_437 : i32
        %get3A_439 = arith.index_cast %add3A_438 : i32 to index
        %get3A_440 = tpu.vector_load %arg7[%get3A_439] {strides = array<i32>} : memref<16384xf32, #tpu.memory_space<vmem>>, vector<16xf32>,
        %get3A_441 = vector.shape_cast %get3A_440 : vector<16xf32> to vector<16xf32>
        %swap3A_442 = arith.constant 2 : i32
        %swap3A_443 = arith.index_cast %swap3A_442 : i32 to index
        %swap3A_444 = arith.index_cast %add3A_366 : i32 to index
        %swap3A_445 = arith.constant 80 : index
        %swap3A_446 = tpu.vector_load %arg8[%swap3A_443, %swap3A_444, %swap3A_445] {strides = array<i32>} : memref<4x128x128xf32, #tpu.memory_space<vmem>>, vector<1x1x16xf32>,
        %swap3A_447 = vector.shape_cast %swap3A_446 : vector<1x1x16xf32> to vector<16xf32>
        %swap3A_448 = vector.shape_cast %get3A_441 : vector<16xf32> to vector<1x1x16xf32>
        tpu.vector_store %arg8[%swap3A_443, %swap3A_444, %swap3A_445], %swap3A_448 {add = true, strides = array<i32>} : memref<4x128x128xf32, #tpu.memory_space<vmem>>, vector<1x1x16xf32>,
        %mul3A_449 = arith.constant 128 : i32
        %mul3A_450 = arith.muli %add3A_366, %mul3A_449 : i32
        %add3A_451 = arith.constant 96 : i32
        %add3A_452 = arith.addi %mul3A_450, %add3A_451 : i32
        %get3A_453 = arith.index_cast %add3A_452 : i32 to index
        %get3A_454 = tpu.vector_load %arg7[%get3A_453] {strides = array<i32>} : memref<16384xf32, #tpu.memory_space<vmem>>, vector<16xf32>,
        %get3A_455 = vector.shape_cast %get3A_454 : vector<16xf32> to vector<16xf32>
        %swap3A_456 = arith.constant 2 : i32
        %swap3A_457 = arith.index_cast %swap3A_456 : i32 to index
        %swap3A_458 = arith.index_cast %add3A_366 : i32 to index
        %swap3A_459 = arith.constant 96 : index
        %swap3A_460 = tpu.vector_load %arg8[%swap3A_457, %swap3A_458, %swap3A_459] {strides = array<i32>} : memref<4x128x128xf32, #tpu.memory_space<vmem>>, vector<1x1x16xf32>,
        %swap3A_461 = vector.shape_cast %swap3A_460 : vector<1x1x16xf32> to vector<16xf32>
        %swap3A_462 = vector.shape_cast %get3A_455 : vector<16xf32> to vector<1x1x16xf32>
        tpu.vector_store %arg8[%swap3A_457, %swap3A_458, %swap3A_459], %swap3A_462 {add = true, strides = array<i32>} : memref<4x128x128xf32, #tpu.memory_space<vmem>>, vector<1x1x16xf32>,
        %mul3A_463 = arith.constant 128 : i32
        %mul3A_464 = arith.muli %add3A_366, %mul3A_463 : i32
        %add3A_465 = arith.constant 112 : i32
        %add3A_466 = arith.addi %mul3A_464, %add3A_465 : i32
        %get3A_467 = arith.index_cast %add3A_466 : i32 to index
        %get3A_468 = tpu.vector_load %arg7[%get3A_467] {strides = array<i32>} : memref<16384xf32, #tpu.memory_space<vmem>>, vector<16xf32>,
        %get3A_469 = vector.shape_cast %get3A_468 : vector<16xf32> to vector<16xf32>
        %swap3A_470 = arith.constant 2 : i32
        %swap3A_471 = arith.index_cast %swap3A_470 : i32 to index
        %swap3A_472 = arith.index_cast %add3A_366 : i32 to index
        %swap3A_473 = arith.constant 112 : index
        %swap3A_474 = tpu.vector_load %arg8[%swap3A_471, %swap3A_472, %swap3A_473] {strides = array<i32>} : memref<4x128x128xf32, #tpu.memory_space<vmem>>, vector<1x1x16xf32>,
        %swap3A_475 = vector.shape_cast %swap3A_474 : vector<1x1x16xf32> to vector<16xf32>
        %swap3A_476 = vector.shape_cast %get3A_469 : vector<16xf32> to vector<1x1x16xf32>
        tpu.vector_store %arg8[%swap3A_471, %swap3A_472, %swap3A_473], %swap3A_476 {add = true, strides = array<i32>} : memref<4x128x128xf32, #tpu.memory_space<vmem>>, vector<1x1x16xf32>,
      }
      %scan3A_291 = arith.constant 128 : i32
      %add3A_292 = arith.addi %mul3A_32, %add3A_259 : i32
      %mul3A_293 = arith.constant 2048 : i32
      %mul3A_294 = arith.muli %add3A_292, %mul3A_293 : i32
      %add3A_295 = arith.addi %mul3A_294, %mul3A_34 : i32
      %dma_start3A_296 = arith.constant 2 : i32
      %dma_start3A_297 = arith.constant 0 : i32
      %dma_start3A_298 = arith.constant 0 : i32
      %dma_start3A_299 = tpu.memref_slice %arg8[%dma_start3A_296, %dma_start3A_297, %dma_start3A_298] : memref<4x128x128xf32, #tpu.memory_space<vmem>> -> memref<1x128x128xf32, #tpu.memory_space<vmem>>
      %dma_start3A_300 = tpu.memref_squeeze %dma_start3A_299 : memref<1x128x128xf32, #tpu.memory_space<vmem>> -> memref<128x128xf32, #tpu.memory_space<vmem>>
      %dma_start3A_301 = arith.constant 0 : i32
      %dma_start3A_302 = tpu.memref_slice %arg5[%add3A_295, %dma_start3A_301] : memref<65536x128xf32, #tpu.memory_space<hbm>> -> memref<128x128xf32, #tpu.memory_space<hbm>>
      %dma_start3A_303 = arith.constant 0 : i32
      %dma_start3A_304 = tpu.memref_slice %arg5[%add3A_295, %dma_start3A_303] : memref<65536x128xf32, #tpu.memory_space<hbm>> -> memref<128x128xf32, #tpu.memory_space<hbm>>
      %dma_start3A_305 = arith.constant 0 : i32
      %dma_start3A_306 = arith.constant 0 : i32
      %dma_start3A_307 = tpu.memref_slice %arg8[%dma_start3A_296, %dma_start3A_305, %dma_start3A_306] : memref<4x128x128xf32, #tpu.memory_space<vmem>> -> memref<1x128x128xf32, #tpu.memory_space<vmem>>
      %dma_start3A_308 = tpu.memref_squeeze %dma_start3A_307 : memref<1x128x128xf32, #tpu.memory_space<vmem>> -> memref<128x128xf32, #tpu.memory_space<vmem>>
      tpu.enqueue_dma source(%dma_start3A_308 : memref<128x128xf32, #tpu.memory_space<vmem>>) target(%dma_start3A_304 : memref<128x128xf32, #tpu.memory_space<hbm>>) target_semaphore(%arg15 : memref<!tpu.dma_semaphore, #tpu.memory_space<semaphore_mem>>)
      %mul3A_309 = arith.constant 4 : i32
      %mul3A_310 = arith.muli %mul3A_309, %scan3A_152 : i32
      %add3A_311 = arith.constant 3 : i32
      %add3A_312 = arith.addi %mul3A_310, %add3A_311 : i32
      %sub3A_313 = arith.constant 2 : i32
      %sub3A_314 = arith.subi %add3A_312, %sub3A_313 : i32
      %ge3A_315 = arith.constant 0 : i32
      %ge3A_316 = arith.cmpi sge, %sub3A_314, %ge3A_315 : i32
      %add3A_317 = arith.constant 4 : i32
      %add3A_318 = arith.addi %sub3A_314, %add3A_317 : i32
      %lt3A_319 = arith.constant 16 : i32
      %lt3A_320 = arith.cmpi slt, %add3A_318, %lt3A_319 : i32
      %and3A_321 = arith.andi %ge3A_316, %lt3A_320 : i1
      %convert_element_type3A_322 = arith.extui %and3A_321 : i1 to i32
      %cond3A_323 = arith.constant 0 : i32
      %cond3A_324 = arith.cmpi ne, %convert_element_type3A_322, %cond3A_323 : i32
      scf.if %cond3A_324 {
        %dma_wait3A_362 = arith.constant 1 : i32
        %dma_wait3A_363 = arith.constant 0 : i32
        %dma_wait3A_364 = arith.constant 0 : i32
        %dma_wait3A_365 = tpu.memref_slice %arg8[%dma_wait3A_362, %dma_wait3A_363, %dma_wait3A_364] : memref<4x128x128xf32, #tpu.memory_space<vmem>> -> memref<1x128x128xf32, #tpu.memory_space<vmem>>
        %dma_wait3A_366 = tpu.memref_squeeze %dma_wait3A_365 : memref<1x128x128xf32, #tpu.memory_space<vmem>> -> memref<128x128xf32, #tpu.memory_space<vmem>>
        %dma_wait3A_367 = arith.constant 0 : i32
        %dma_wait3A_368 = arith.constant 0 : i32
        %dma_wait3A_369 = tpu.memref_slice %arg5[%dma_wait3A_367, %dma_wait3A_368] : memref<65536x128xf32, #tpu.memory_space<hbm>> -> memref<128x128xf32, #tpu.memory_space<hbm>>
        %dma_wait3A_370 = arith.constant 0 : i32
        %dma_wait3A_371 = arith.constant 0 : i32
        %dma_wait3A_372 = tpu.memref_slice %arg5[%dma_wait3A_370, %dma_wait3A_371] : memref<65536x128xf32, #tpu.memory_space<hbm>> -> memref<128x128xf32, #tpu.memory_space<hbm>>
        %dma_wait3A_373 = arith.constant 0 : i32
        %dma_wait3A_374 = arith.constant 0 : i32
        %dma_wait3A_375 = tpu.memref_slice %arg8[%dma_wait3A_362, %dma_wait3A_373, %dma_wait3A_374] : memref<4x128x128xf32, #tpu.memory_space<vmem>> -> memref<1x128x128xf32, #tpu.memory_space<vmem>>
        %dma_wait3A_376 = tpu.memref_squeeze %dma_wait3A_375 : memref<1x128x128xf32, #tpu.memory_space<vmem>> -> memref<128x128xf32, #tpu.memory_space<vmem>>
        tpu.wait_dma2 semaphore(%arg14 : memref<!tpu.dma_semaphore, #tpu.memory_space<semaphore_mem>>) src(%dma_wait3A_376 : memref<128x128xf32, #tpu.memory_space<vmem>>) dst(%dma_wait3A_372 : memref<128x128xf32, #tpu.memory_space<hbm>>)
        %add3A_377 = arith.constant 4 : i32
        %add3A_378 = arith.addi %sub3A_314, %add3A_377 : i32
        %dma_start3A_379 = arith.constant 1 : i32
        %dma_start3A_380 = arith.constant 0 : i32
        %dma_start3A_381 = arith.constant 0 : i32
        %dma_start3A_382 = tpu.memref_slice %arg8[%dma_start3A_379, %dma_start3A_380, %dma_start3A_381] : memref<4x128x128xf32, #tpu.memory_space<vmem>> -> memref<1x128x128xf32, #tpu.memory_space<vmem>>
        %dma_start3A_383 = tpu.memref_squeeze %dma_start3A_382 : memref<1x128x128xf32, #tpu.memory_space<vmem>> -> memref<128x128xf32, #tpu.memory_space<vmem>>
        %dma_start3A_384 = arith.constant 0 : i32
        %dma_start3A_385 = tpu.memref_slice %arg6[%add3A_378, %dma_start3A_384] : memref<16x128xi32, #tpu.memory_space<vmem>> -> memref<1x128xi32, #tpu.memory_space<vmem>>
        %dma_start3A_386 = tpu.memref_squeeze %dma_start3A_385 : memref<1x128xi32, #tpu.memory_space<vmem>> -> memref<128xi32, #tpu.memory_space<vmem>>
        %dma_start3A_387 = arith.constant 0 : i32
        %dma_start3A_388 = arith.constant 0 : i32
        %dma_start3A_389 = tpu.memref_slice %arg3[%dma_start3A_387, %dma_start3A_388] : memref<100000x128xf32, #tpu.memory_space<hbm>> -> memref<100000x128xf32, #tpu.memory_space<hbm>>
        tpu.enqueue_indirect_dma source(%dma_start3A_389 : memref<100000x128xf32, #tpu.memory_space<hbm>>) target(%dma_start3A_383 : memref<128x128xf32, #tpu.memory_space<vmem>>) offsets(%dma_start3A_386 : memref<128xi32, #tpu.memory_space<vmem>>) semaphore(%arg10 : memref<!tpu.dma_semaphore, #tpu.memory_space<semaphore_mem>>)
      } else {
      }
      %dma_wait3A_325 = arith.constant 3 : i32
      %dma_wait3A_326 = arith.constant 0 : i32
      %dma_wait3A_327 = arith.constant 0 : i32
      %dma_wait3A_328 = tpu.memref_slice %arg8[%dma_wait3A_325, %dma_wait3A_326, %dma_wait3A_327] : memref<4x128x128xf32, #tpu.memory_space<vmem>> -> memref<1x128x128xf32, #tpu.memory_space<vmem>>
      %dma_wait3A_329 = tpu.memref_squeeze %dma_wait3A_328 : memref<1x128x128xf32, #tpu.memory_space<vmem>> -> memref<128x128xf32, #tpu.memory_space<vmem>>
      %dma_wait3A_330 = arith.constant 0 : i32
      %dma_wait3A_331 = arith.constant 0 : i32
      %dma_wait3A_332 = tpu.memref_slice %arg3[%dma_wait3A_330, %dma_wait3A_331] : memref<100000x128xf32, #tpu.memory_space<hbm>> -> memref<128x128xf32, #tpu.memory_space<hbm>>
      %dma_wait3A_333 = arith.constant 0 : i32
      %dma_wait3A_334 = arith.constant 0 : i32
      %dma_wait3A_335 = tpu.memref_slice %arg8[%dma_wait3A_325, %dma_wait3A_333, %dma_wait3A_334] : memref<4x128x128xf32, #tpu.memory_space<vmem>> -> memref<1x128x128xf32, #tpu.memory_space<vmem>>
      %dma_wait3A_336 = tpu.memref_squeeze %dma_wait3A_335 : memref<1x128x128xf32, #tpu.memory_space<vmem>> -> memref<128x128xf32, #tpu.memory_space<vmem>>
      %dma_wait3A_337 = arith.constant 0 : i32
      %dma_wait3A_338 = arith.constant 0 : i32
      %dma_wait3A_339 = tpu.memref_slice %arg3[%dma_wait3A_337, %dma_wait3A_338] : memref<100000x128xf32, #tpu.memory_space<hbm>> -> memref<128x128xf32, #tpu.memory_space<hbm>>
      tpu.wait_dma2 semaphore(%arg12 : memref<!tpu.dma_semaphore, #tpu.memory_space<semaphore_mem>>) src(%dma_wait3A_339 : memref<128x128xf32, #tpu.memory_space<hbm>>) dst(%dma_wait3A_336 : memref<128x128xf32, #tpu.memory_space<vmem>>)
      %scan3A_340 = arith.constant 0 : i32
      %scan3A_341 = arith.constant 128 : i32
      %scan3A_342 = arith.addi %scan3A_340, %scan3A_341 : i32
      %scan3A_343 = arith.constant 1 : i32
      scf.for %scan3A_362 = %scan3A_340 to %scan3A_342 step %scan3A_343  : i32 {
        %mul3A_363 = arith.constant 1 : i32
        %mul3A_364 = arith.muli %scan3A_362, %mul3A_363 : i32
        %add3A_365 = arith.constant 0 : i32
        %add3A_366 = arith.addi %add3A_365, %mul3A_364 : i32
        %mul3A_367 = arith.constant 128 : i32
        %mul3A_368 = arith.muli %add3A_366, %mul3A_367 : i32
        %add3A_369 = arith.constant 0 : i32
        %add3A_370 = arith.addi %mul3A_368, %add3A_369 : i32
        %get3A = arith.index_cast %add3A_370 : i32 to index
        %get3A_371 = tpu.vector_load %arg7[%get3A] {strides = array<i32>} : memref<16384xf32, #tpu.memory_space<vmem>>, vector<16xf32>,
        %get3A_372 = vector.shape_cast %get3A_371 : vector<16xf32> to vector<16xf32>
        %swap3A = arith.constant 3 : i32
        %swap3A_373 = arith.index_cast %swap3A : i32 to index
        %swap3A_374 = arith.index_cast %add3A_366 : i32 to index
        %swap3A_375 = arith.constant 0 : index
        %swap3A_376 = tpu.vector_load %arg8[%swap3A_373, %swap3A_374, %swap3A_375] {strides = array<i32>} : memref<4x128x128xf32, #tpu.memory_space<vmem>>, vector<1x1x16xf32>,
        %swap3A_377 = vector.shape_cast %swap3A_376 : vector<1x1x16xf32> to vector<16xf32>
        %swap3A_378 = vector.shape_cast %get3A_372 : vector<16xf32> to vector<1x1x16xf32>
        tpu.vector_store %arg8[%swap3A_373, %swap3A_374, %swap3A_375], %swap3A_378 {add = true, strides = array<i32>} : memref<4x128x128xf32, #tpu.memory_space<vmem>>, vector<1x1x16xf32>,
        %mul3A_379 = arith.constant 128 : i32
        %mul3A_380 = arith.muli %add3A_366, %mul3A_379 : i32
        %add3A_381 = arith.constant 16 : i32
        %add3A_382 = arith.addi %mul3A_380, %add3A_381 : i32
        %get3A_383 = arith.index_cast %add3A_382 : i32 to index
        %get3A_384 = tpu.vector_load %arg7[%get3A_383] {strides = array<i32>} : memref<16384xf32, #tpu.memory_space<vmem>>, vector<16xf32>,
        %get3A_385 = vector.shape_cast %get3A_384 : vector<16xf32> to vector<16xf32>
        %swap3A_386 = arith.constant 3 : i32
        %swap3A_387 = arith.index_cast %swap3A_386 : i32 to index
        %swap3A_388 = arith.index_cast %add3A_366 : i32 to index
        %swap3A_389 = arith.constant 16 : index
        %swap3A_390 = tpu.vector_load %arg8[%swap3A_387, %swap3A_388, %swap3A_389] {strides = array<i32>} : memref<4x128x128xf32, #tpu.memory_space<vmem>>, vector<1x1x16xf32>,
        %swap3A_391 = vector.shape_cast %swap3A_390 : vector<1x1x16xf32> to vector<16xf32>
        %swap3A_392 = vector.shape_cast %get3A_385 : vector<16xf32> to vector<1x1x16xf32>
        tpu.vector_store %arg8[%swap3A_387, %swap3A_388, %swap3A_389], %swap3A_392 {add = true, strides = array<i32>} : memref<4x128x128xf32, #tpu.memory_space<vmem>>, vector<1x1x16xf32>,
        %mul3A_393 = arith.constant 128 : i32
        %mul3A_394 = arith.muli %add3A_366, %mul3A_393 : i32
        %add3A_395 = arith.constant 32 : i32
        %add3A_396 = arith.addi %mul3A_394, %add3A_395 : i32
        %get3A_397 = arith.index_cast %add3A_396 : i32 to index
        %get3A_398 = tpu.vector_load %arg7[%get3A_397] {strides = array<i32>} : memref<16384xf32, #tpu.memory_space<vmem>>, vector<16xf32>,
        %get3A_399 = vector.shape_cast %get3A_398 : vector<16xf32> to vector<16xf32>
        %swap3A_400 = arith.constant 3 : i32
        %swap3A_401 = arith.index_cast %swap3A_400 : i32 to index
        %swap3A_402 = arith.index_cast %add3A_366 : i32 to index
        %swap3A_403 = arith.constant 32 : index
        %swap3A_404 = tpu.vector_load %arg8[%swap3A_401, %swap3A_402, %swap3A_403] {strides = array<i32>} : memref<4x128x128xf32, #tpu.memory_space<vmem>>, vector<1x1x16xf32>,
        %swap3A_405 = vector.shape_cast %swap3A_404 : vector<1x1x16xf32> to vector<16xf32>
        %swap3A_406 = vector.shape_cast %get3A_399 : vector<16xf32> to vector<1x1x16xf32>
        tpu.vector_store %arg8[%swap3A_401, %swap3A_402, %swap3A_403], %swap3A_406 {add = true, strides = array<i32>} : memref<4x128x128xf32, #tpu.memory_space<vmem>>, vector<1x1x16xf32>,
        %mul3A_407 = arith.constant 128 : i32
        %mul3A_408 = arith.muli %add3A_366, %mul3A_407 : i32
        %add3A_409 = arith.constant 48 : i32
        %add3A_410 = arith.addi %mul3A_408, %add3A_409 : i32
        %get3A_411 = arith.index_cast %add3A_410 : i32 to index
        %get3A_412 = tpu.vector_load %arg7[%get3A_411] {strides = array<i32>} : memref<16384xf32, #tpu.memory_space<vmem>>, vector<16xf32>,
        %get3A_413 = vector.shape_cast %get3A_412 : vector<16xf32> to vector<16xf32>
        %swap3A_414 = arith.constant 3 : i32
        %swap3A_415 = arith.index_cast %swap3A_414 : i32 to index
        %swap3A_416 = arith.index_cast %add3A_366 : i32 to index
        %swap3A_417 = arith.constant 48 : index
        %swap3A_418 = tpu.vector_load %arg8[%swap3A_415, %swap3A_416, %swap3A_417] {strides = array<i32>} : memref<4x128x128xf32, #tpu.memory_space<vmem>>, vector<1x1x16xf32>,
        %swap3A_419 = vector.shape_cast %swap3A_418 : vector<1x1x16xf32> to vector<16xf32>
        %swap3A_420 = vector.shape_cast %get3A_413 : vector<16xf32> to vector<1x1x16xf32>
        tpu.vector_store %arg8[%swap3A_415, %swap3A_416, %swap3A_417], %swap3A_420 {add = true, strides = array<i32>} : memref<4x128x128xf32, #tpu.memory_space<vmem>>, vector<1x1x16xf32>,
        %mul3A_421 = arith.constant 128 : i32
        %mul3A_422 = arith.muli %add3A_366, %mul3A_421 : i32
        %add3A_423 = arith.constant 64 : i32
        %add3A_424 = arith.addi %mul3A_422, %add3A_423 : i32
        %get3A_425 = arith.index_cast %add3A_424 : i32 to index
        %get3A_426 = tpu.vector_load %arg7[%get3A_425] {strides = array<i32>} : memref<16384xf32, #tpu.memory_space<vmem>>, vector<16xf32>,
        %get3A_427 = vector.shape_cast %get3A_426 : vector<16xf32> to vector<16xf32>
        %swap3A_428 = arith.constant 3 : i32
        %swap3A_429 = arith.index_cast %swap3A_428 : i32 to index
        %swap3A_430 = arith.index_cast %add3A_366 : i32 to index
        %swap3A_431 = arith.constant 64 : index
        %swap3A_432 = tpu.vector_load %arg8[%swap3A_429, %swap3A_430, %swap3A_431] {strides = array<i32>} : memref<4x128x128xf32, #tpu.memory_space<vmem>>, vector<1x1x16xf32>,
        %swap3A_433 = vector.shape_cast %swap3A_432 : vector<1x1x16xf32> to vector<16xf32>
        %swap3A_434 = vector.shape_cast %get3A_427 : vector<16xf32> to vector<1x1x16xf32>
        tpu.vector_store %arg8[%swap3A_429, %swap3A_430, %swap3A_431], %swap3A_434 {add = true, strides = array<i32>} : memref<4x128x128xf32, #tpu.memory_space<vmem>>, vector<1x1x16xf32>,
        %mul3A_435 = arith.constant 128 : i32
        %mul3A_436 = arith.muli %add3A_366, %mul3A_435 : i32
        %add3A_437 = arith.constant 80 : i32
        %add3A_438 = arith.addi %mul3A_436, %add3A_437 : i32
        %get3A_439 = arith.index_cast %add3A_438 : i32 to index
        %get3A_440 = tpu.vector_load %arg7[%get3A_439] {strides = array<i32>} : memref<16384xf32, #tpu.memory_space<vmem>>, vector<16xf32>,
        %get3A_441 = vector.shape_cast %get3A_440 : vector<16xf32> to vector<16xf32>
        %swap3A_442 = arith.constant 3 : i32
        %swap3A_443 = arith.index_cast %swap3A_442 : i32 to index
        %swap3A_444 = arith.index_cast %add3A_366 : i32 to index
        %swap3A_445 = arith.constant 80 : index
        %swap3A_446 = tpu.vector_load %arg8[%swap3A_443, %swap3A_444, %swap3A_445] {strides = array<i32>} : memref<4x128x128xf32, #tpu.memory_space<vmem>>, vector<1x1x16xf32>,
        %swap3A_447 = vector.shape_cast %swap3A_446 : vector<1x1x16xf32> to vector<16xf32>
        %swap3A_448 = vector.shape_cast %get3A_441 : vector<16xf32> to vector<1x1x16xf32>
        tpu.vector_store %arg8[%swap3A_443, %swap3A_444, %swap3A_445], %swap3A_448 {add = true, strides = array<i32>} : memref<4x128x128xf32, #tpu.memory_space<vmem>>, vector<1x1x16xf32>,
        %mul3A_449 = arith.constant 128 : i32
        %mul3A_450 = arith.muli %add3A_366, %mul3A_449 : i32
        %add3A_451 = arith.constant 96 : i32
        %add3A_452 = arith.addi %mul3A_450, %add3A_451 : i32
        %get3A_453 = arith.index_cast %add3A_452 : i32 to index
        %get3A_454 = tpu.vector_load %arg7[%get3A_453] {strides = array<i32>} : memref<16384xf32, #tpu.memory_space<vmem>>, vector<16xf32>,
        %get3A_455 = vector.shape_cast %get3A_454 : vector<16xf32> to vector<16xf32>
        %swap3A_456 = arith.constant 3 : i32
        %swap3A_457 = arith.index_cast %swap3A_456 : i32 to index
        %swap3A_458 = arith.index_cast %add3A_366 : i32 to index
        %swap3A_459 = arith.constant 96 : index
        %swap3A_460 = tpu.vector_load %arg8[%swap3A_457, %swap3A_458, %swap3A_459] {strides = array<i32>} : memref<4x128x128xf32, #tpu.memory_space<vmem>>, vector<1x1x16xf32>,
        %swap3A_461 = vector.shape_cast %swap3A_460 : vector<1x1x16xf32> to vector<16xf32>
        %swap3A_462 = vector.shape_cast %get3A_455 : vector<16xf32> to vector<1x1x16xf32>
        tpu.vector_store %arg8[%swap3A_457, %swap3A_458, %swap3A_459], %swap3A_462 {add = true, strides = array<i32>} : memref<4x128x128xf32, #tpu.memory_space<vmem>>, vector<1x1x16xf32>,
        %mul3A_463 = arith.constant 128 : i32
        %mul3A_464 = arith.muli %add3A_366, %mul3A_463 : i32
        %add3A_465 = arith.constant 112 : i32
        %add3A_466 = arith.addi %mul3A_464, %add3A_465 : i32
        %get3A_467 = arith.index_cast %add3A_466 : i32 to index
        %get3A_468 = tpu.vector_load %arg7[%get3A_467] {strides = array<i32>} : memref<16384xf32, #tpu.memory_space<vmem>>, vector<16xf32>,
        %get3A_469 = vector.shape_cast %get3A_468 : vector<16xf32> to vector<16xf32>
        %swap3A_470 = arith.constant 3 : i32
        %swap3A_471 = arith.index_cast %swap3A_470 : i32 to index
        %swap3A_472 = arith.index_cast %add3A_366 : i32 to index
        %swap3A_473 = arith.constant 112 : index
        %swap3A_474 = tpu.vector_load %arg8[%swap3A_471, %swap3A_472, %swap3A_473] {strides = array<i32>} : memref<4x128x128xf32, #tpu.memory_space<vmem>>, vector<1x1x16xf32>,
        %swap3A_475 = vector.shape_cast %swap3A_474 : vector<1x1x16xf32> to vector<16xf32>
        %swap3A_476 = vector.shape_cast %get3A_469 : vector<16xf32> to vector<1x1x16xf32>
        tpu.vector_store %arg8[%swap3A_471, %swap3A_472, %swap3A_473], %swap3A_476 {add = true, strides = array<i32>} : memref<4x128x128xf32, #tpu.memory_space<vmem>>, vector<1x1x16xf32>,
      }
      %scan3A_344 = arith.constant 128 : i32
      %add3A_345 = arith.addi %mul3A_32, %add3A_312 : i32
      %mul3A_346 = arith.constant 2048 : i32
      %mul3A_347 = arith.muli %add3A_345, %mul3A_346 : i32
      %add3A_348 = arith.addi %mul3A_347, %mul3A_34 : i32
      %dma_start3A_349 = arith.constant 3 : i32
      %dma_start3A_350 = arith.constant 0 : i32
      %dma_start3A_351 = arith.constant 0 : i32
      %dma_start3A_352 = tpu.memref_slice %arg8[%dma_start3A_349, %dma_start3A_350, %dma_start3A_351] : memref<4x128x128xf32, #tpu.memory_space<vmem>> -> memref<1x128x128xf32, #tpu.memory_space<vmem>>
      %dma_start3A_353 = tpu.memref_squeeze %dma_start3A_352 : memref<1x128x128xf32, #tpu.memory_space<vmem>> -> memref<128x128xf32, #tpu.memory_space<vmem>>
      %dma_start3A_354 = arith.constant 0 : i32
      %dma_start3A_355 = tpu.memref_slice %arg5[%add3A_348, %dma_start3A_354] : memref<65536x128xf32, #tpu.memory_space<hbm>> -> memref<128x128xf32, #tpu.memory_space<hbm>>
      %dma_start3A_356 = arith.constant 0 : i32
      %dma_start3A_357 = tpu.memref_slice %arg5[%add3A_348, %dma_start3A_356] : memref<65536x128xf32, #tpu.memory_space<hbm>> -> memref<128x128xf32, #tpu.memory_space<hbm>>
      %dma_start3A_358 = arith.constant 0 : i32
      %dma_start3A_359 = arith.constant 0 : i32
      %dma_start3A_360 = tpu.memref_slice %arg8[%dma_start3A_349, %dma_start3A_358, %dma_start3A_359] : memref<4x128x128xf32, #tpu.memory_space<vmem>> -> memref<1x128x128xf32, #tpu.memory_space<vmem>>
      %dma_start3A_361 = tpu.memref_squeeze %dma_start3A_360 : memref<1x128x128xf32, #tpu.memory_space<vmem>> -> memref<128x128xf32, #tpu.memory_space<vmem>>
      tpu.enqueue_dma source(%dma_start3A_361 : memref<128x128xf32, #tpu.memory_space<vmem>>) target(%dma_start3A_357 : memref<128x128xf32, #tpu.memory_space<hbm>>) target_semaphore(%arg16 : memref<!tpu.dma_semaphore, #tpu.memory_space<semaphore_mem>>)
    }
    %scan3A_91 = arith.constant 4 : i32
    %dma_wait3A_92 = arith.constant 0 : i32
    %dma_wait3A_93 = arith.constant 0 : i32
    %dma_wait3A_94 = arith.constant 0 : i32
    %dma_wait3A_95 = tpu.memref_slice %arg8[%dma_wait3A_92, %dma_wait3A_93, %dma_wait3A_94] : memref<4x128x128xf32, #tpu.memory_space<vmem>> -> memref<1x128x128xf32, #tpu.memory_space<vmem>>
    %dma_wait3A_96 = tpu.memref_squeeze %dma_wait3A_95 : memref<1x128x128xf32, #tpu.memory_space<vmem>> -> memref<128x128xf32, #tpu.memory_space<vmem>>
    %dma_wait3A_97 = arith.constant 0 : i32
    %dma_wait3A_98 = arith.constant 0 : i32
    %dma_wait3A_99 = tpu.memref_slice %arg5[%dma_wait3A_97, %dma_wait3A_98] : memref<65536x128xf32, #tpu.memory_space<hbm>> -> memref<128x128xf32, #tpu.memory_space<hbm>>
    %dma_wait3A_100 = arith.constant 0 : i32
    %dma_wait3A_101 = arith.constant 0 : i32
    %dma_wait3A_102 = tpu.memref_slice %arg5[%dma_wait3A_100, %dma_wait3A_101] : memref<65536x128xf32, #tpu.memory_space<hbm>> -> memref<128x128xf32, #tpu.memory_space<hbm>>
    %dma_wait3A_103 = arith.constant 0 : i32
    %dma_wait3A_104 = arith.constant 0 : i32
    %dma_wait3A_105 = tpu.memref_slice %arg8[%dma_wait3A_92, %dma_wait3A_103, %dma_wait3A_104] : memref<4x128x128xf32, #tpu.memory_space<vmem>> -> memref<1x128x128xf32, #tpu.memory_space<vmem>>
    %dma_wait3A_106 = tpu.memref_squeeze %dma_wait3A_105 : memref<1x128x128xf32, #tpu.memory_space<vmem>> -> memref<128x128xf32, #tpu.memory_space<vmem>>
    tpu.wait_dma2 semaphore(%arg13 : memref<!tpu.dma_semaphore, #tpu.memory_space<semaphore_mem>>) src(%dma_wait3A_106 : memref<128x128xf32, #tpu.memory_space<vmem>>) dst(%dma_wait3A_102 : memref<128x128xf32, #tpu.memory_space<hbm>>)
    %dma_wait3A_107 = arith.constant 1 : i32
    %dma_wait3A_108 = arith.constant 0 : i32
    %dma_wait3A_109 = arith.constant 0 : i32
    %dma_wait3A_110 = tpu.memref_slice %arg8[%dma_wait3A_107, %dma_wait3A_108, %dma_wait3A_109] : memref<4x128x128xf32, #tpu.memory_space<vmem>> -> memref<1x128x128xf32, #tpu.memory_space<vmem>>
    %dma_wait3A_111 = tpu.memref_squeeze %dma_wait3A_110 : memref<1x128x128xf32, #tpu.memory_space<vmem>> -> memref<128x128xf32, #tpu.memory_space<vmem>>
    %dma_wait3A_112 = arith.constant 0 : i32
    %dma_wait3A_113 = arith.constant 0 : i32
    %dma_wait3A_114 = tpu.memref_slice %arg5[%dma_wait3A_112, %dma_wait3A_113] : memref<65536x128xf32, #tpu.memory_space<hbm>> -> memref<128x128xf32, #tpu.memory_space<hbm>>
    %dma_wait3A_115 = arith.constant 0 : i32
    %dma_wait3A_116 = arith.constant 0 : i32
    %dma_wait3A_117 = tpu.memref_slice %arg5[%dma_wait3A_115, %dma_wait3A_116] : memref<65536x128xf32, #tpu.memory_space<hbm>> -> memref<128x128xf32, #tpu.memory_space<hbm>>
    %dma_wait3A_118 = arith.constant 0 : i32
    %dma_wait3A_119 = arith.constant 0 : i32
    %dma_wait3A_120 = tpu.memref_slice %arg8[%dma_wait3A_107, %dma_wait3A_118, %dma_wait3A_119] : memref<4x128x128xf32, #tpu.memory_space<vmem>> -> memref<1x128x128xf32, #tpu.memory_space<vmem>>
    %dma_wait3A_121 = tpu.memref_squeeze %dma_wait3A_120 : memref<1x128x128xf32, #tpu.memory_space<vmem>> -> memref<128x128xf32, #tpu.memory_space<vmem>>
    tpu.wait_dma2 semaphore(%arg14 : memref<!tpu.dma_semaphore, #tpu.memory_space<semaphore_mem>>) src(%dma_wait3A_121 : memref<128x128xf32, #tpu.memory_space<vmem>>) dst(%dma_wait3A_117 : memref<128x128xf32, #tpu.memory_space<hbm>>)
    %dma_wait3A_122 = arith.constant 2 : i32
    %dma_wait3A_123 = arith.constant 0 : i32
    %dma_wait3A_124 = arith.constant 0 : i32
    %dma_wait3A_125 = tpu.memref_slice %arg8[%dma_wait3A_122, %dma_wait3A_123, %dma_wait3A_124] : memref<4x128x128xf32, #tpu.memory_space<vmem>> -> memref<1x128x128xf32, #tpu.memory_space<vmem>>
    %dma_wait3A_126 = tpu.memref_squeeze %dma_wait3A_125 : memref<1x128x128xf32, #tpu.memory_space<vmem>> -> memref<128x128xf32, #tpu.memory_space<vmem>>
    %dma_wait3A_127 = arith.constant 0 : i32
    %dma_wait3A_128 = arith.constant 0 : i32
    %dma_wait3A_129 = tpu.memref_slice %arg5[%dma_wait3A_127, %dma_wait3A_128] : memref<65536x128xf32, #tpu.memory_space<hbm>> -> memref<128x128xf32, #tpu.memory_space<hbm>>
    %dma_wait3A_130 = arith.constant 0 : i32
    %dma_wait3A_131 = arith.constant 0 : i32
    %dma_wait3A_132 = tpu.memref_slice %arg5[%dma_wait3A_130, %dma_wait3A_131] : memref<65536x128xf32, #tpu.memory_space<hbm>> -> memref<128x128xf32, #tpu.memory_space<hbm>>
    %dma_wait3A_133 = arith.constant 0 : i32
    %dma_wait3A_134 = arith.constant 0 : i32
    %dma_wait3A_135 = tpu.memref_slice %arg8[%dma_wait3A_122, %dma_wait3A_133, %dma_wait3A_134] : memref<4x128x128xf32, #tpu.memory_space<vmem>> -> memref<1x128x128xf32, #tpu.memory_space<vmem>>
    %dma_wait3A_136 = tpu.memref_squeeze %dma_wait3A_135 : memref<1x128x128xf32, #tpu.memory_space<vmem>> -> memref<128x128xf32, #tpu.memory_space<vmem>>
    tpu.wait_dma2 semaphore(%arg15 : memref<!tpu.dma_semaphore, #tpu.memory_space<semaphore_mem>>) src(%dma_wait3A_136 : memref<128x128xf32, #tpu.memory_space<vmem>>) dst(%dma_wait3A_132 : memref<128x128xf32, #tpu.memory_space<hbm>>)
    %dma_wait3A_137 = arith.constant 3 : i32
    %dma_wait3A_138 = arith.constant 0 : i32
    %dma_wait3A_139 = arith.constant 0 : i32
    %dma_wait3A_140 = tpu.memref_slice %arg8[%dma_wait3A_137, %dma_wait3A_138, %dma_wait3A_139] : memref<4x128x128xf32, #tpu.memory_space<vmem>> -> memref<1x128x128xf32, #tpu.memory_space<vmem>>
    %dma_wait3A_141 = tpu.memref_squeeze %dma_wait3A_140 : memref<1x128x128xf32, #tpu.memory_space<vmem>> -> memref<128x128xf32, #tpu.memory_space<vmem>>
    %dma_wait3A_142 = arith.constant 0 : i32
    %dma_wait3A_143 = arith.constant 0 : i32
    %dma_wait3A_144 = tpu.memref_slice %arg5[%dma_wait3A_142, %dma_wait3A_143] : memref<65536x128xf32, #tpu.memory_space<hbm>> -> memref<128x128xf32, #tpu.memory_space<hbm>>
    %dma_wait3A_145 = arith.constant 0 : i32
    %dma_wait3A_146 = arith.constant 0 : i32
    %dma_wait3A_147 = tpu.memref_slice %arg5[%dma_wait3A_145, %dma_wait3A_146] : memref<65536x128xf32, #tpu.memory_space<hbm>> -> memref<128x128xf32, #tpu.memory_space<hbm>>
    %dma_wait3A_148 = arith.constant 0 : i32
    %dma_wait3A_149 = arith.constant 0 : i32
    %dma_wait3A_150 = tpu.memref_slice %arg8[%dma_wait3A_137, %dma_wait3A_148, %dma_wait3A_149] : memref<4x128x128xf32, #tpu.memory_space<vmem>> -> memref<1x128x128xf32, #tpu.memory_space<vmem>>
    %dma_wait3A_151 = tpu.memref_squeeze %dma_wait3A_150 : memref<1x128x128xf32, #tpu.memory_space<vmem>> -> memref<128x128xf32, #tpu.memory_space<vmem>>
    tpu.wait_dma2 semaphore(%arg16 : memref<!tpu.dma_semaphore, #tpu.memory_space<semaphore_mem>>) src(%dma_wait3A_151 : memref<128x128xf32, #tpu.memory_space<vmem>>) dst(%dma_wait3A_147 : memref<128x128xf32, #tpu.memory_space<hbm>>)
    return
  }
}

</mosaic_0001>

<sc_bundles>
// kernel: kernel.3.cloned.1.call-start
scs
__scs_entry_jumppad:
0x0: {  	(pc) =	sbr.rel $0x88, $3  }
0x1: {  	(tag) =	ssettag $0x0;
	lr =	simm.s32 $0x1  }
0x2: {  	[smem:$0x3F9E] =	sst lr;
	_ =	strace $0xD0000000  }
0x3: {  	_ = 	snop  }
0x4: {  	_ = 	snop  }
0x5: {  	_ = 	snop  }
0x6: {  	_ = 	snop  }
0x7: {  	_ = 	snop  }
__scs_overlays_trampoline_lowered:
0x8: {  	[smem:$0x3FAD] =	sst s0  }
0x9: {  	[smem:$0x3FAE] =	sst s1  }
0xa: {  	[smem:$0x3FAF] =	sst s2  }
0xb: {  	[smem:$0x3FB0] =	sst s3  }
0xc: {  	[smem:$0x3FB1] =	sst s4  }
0xd: {  	[smem:$0x3FB2] =	sst s5  }
0xe: {  	[smem:$0x3FB3] =	sst s6  }
0xf: {  	[smem:$0x3FB4] =	sst s7  }
0x10: {  	[smem:$0x3FB5] =	sst s8  }
0x11: {  	[smem:$0x3FB6] =	sst s9;
	s0 =	simm.s32 @!p0 $0x0  }
0x12: {  	s1 =	sld [smem:$0x3F9C];
	s0 =	simm.s32 @p0 $0x1  }
0x13: {  	[smem:$0x3FB7] =	sst s0;
	s0 =	simm.s32 @!p1 $0x0  }
0x14: {  	s2 =	sld [smem:$0x3F9B];
	s0 =	simm.s32 @p1 $0x1  }
0x15: {  	[smem:$0x3FB8] =	sst s0;
	s0 =	simm.s32 @!p2 $0x0  }
0x16: {  	s3 =	sld [smem:$0x3FDB];
	s0 =	simm.s32 @p2 $0x1  }
0x17: {  	s4 =	simm.s32 $0x1BF5;
	[smem:$0x3FBA] =	sst s0  }
0x18: {  	s0 =	sld [smem:$0x3F9D];
	_ =	swait.ge [sflag:s4], $0x0  }
0x19: {  	s7 =	sld [smem:$0x3F9E]  }
0x1a: {  	s8 =	sadd.s32 $0xFFFFE003, lr  }
0x1b: {  	s9 =	sadd.s32 $0xFFFFFEF7, lr;
	s5 =	simm.s32 $0xFFFFFFFF;
	p2 =	slt.u32 s8, $0xFFFFF086  }
0x1c: {  	p1 =	slt.u32 s9, $0xF7A;
	s5 =	simm.s32 @!p2 $0x0  }
0x1d: {  	s5 =	simm.s32 @p1 $0x1;
	p0 =	seq.s32 s7, s2  }
0x1e: {  	s7 =	smul.u32 @!p0 $0xF7A, s2;
	p2 =	seq.s32 @!p0 s5, $0x0  }
0x1f: {  	s9 =	smul.u32 $0xF7A, s1;
	s8 =	simm.s32 @!p0 $0x1BF5;
	p2 =	por !p2, p0  }
0x20: {  	[sflag:s8] =	ssyncset.s32 @!p0 $0xFFFFF086;
	s6 =	sadd.s32 @!p0 s3, s7;
	s7 =	simm.s32 @!p0 $0x108  }
0x21: {  	s3 =	sadd.s32 s3, s9;
	s6 =	sadd.s32 @!p0 $0x88, s6;
	s7 =	simm.s32 @p2 $0x1082  }
0x22: {  	[simem:s7], [sflag:s8] =	dma.local @!p0 [hbm:s6], $0xF7A  }
0x23: {  	s9 =	sor.u32 $0xD0000000, s2;
	s6 =	simm.s32 $0x108;
	_ =	swait.ge @!p0 [sflag:s8], $0x0  }
0x24: {  	s3 =	sadd.s32 $0x88, s3;
	s6 =	simm.s32 @!p1 $0x1082;
	[sflag:s4] =	ssyncset.s32 $0xFFFFF086  }
0x25: {  	[simem:s6], [sflag:s4] =	dma.local [hbm:s3], $0xF7A  }
0x26: {  	[smem:$0x3F9E] =	sst s1;
	(tag) =	ssettag s2;
	_ =	strace s9  }
0x27: {  	s1 =	sld [smem:$0x3FAE]  }
0x28: {  	s2 =	sld [smem:$0x3FAF]  }
0x29: {  	s4 =	sld [smem:$0x3FB1]  }
0x2a: {  	p0 =	seq.s32 s5, $0x0;
	s5 =	sld [smem:$0x3FB2]  }
0x2b: {  	s6 =	sld [smem:$0x3FB3]  }
0x2c: {  	s7 =	sld [smem:$0x3FB4]  }
0x2d: {  	s3 =	simm.s32 $0x108;
	s8 =	sld [smem:$0x3FB5]  }
0x2e: {  	s3 =	simm.s32 @!p0 $0x1082;
	s9 =	sld [smem:$0x3FB6]  }
0x2f: {  	lr =	sadd.s32 s0, s3;
	s0 =	sld [smem:$0x3FAD]  }
0x30: {  	s3 =	sld [smem:$0x3FB0]  }
0x31: {  	[smem:$0x3FB9] =	sst s10  }
0x32: {  	s10 =	sld [smem:$0x3FB7];
	_ =	sdelay $0x3  }
0x33: {  	p0 =	seq.s32 s10, $0x1;
	s10 =	sld [smem:$0x3FB9];
	_ =	sdelay $0x3  }
0x34: {  	[smem:$0x3FB9] =	sst s10  }
0x35: {  	s10 =	sld [smem:$0x3FB8];
	_ =	sdelay $0x3  }
0x36: {  	p1 =	seq.s32 s10, $0x1;
	s10 =	sld [smem:$0x3FB9];
	_ =	sdelay $0x3  }
0x37: {  	[smem:$0x3FB9] =	sst s10  }
0x38: {  	s10 =	sld [smem:$0x3FBA]  }
0x39: {  	_ = 	snop;
	(pc) =	sbr.ind lr, $3  }
0x3a: {  	_ = 	snop  }
0x3b: {  	_ = 	snop  }
0x3c: {  	p2 =	seq.s32 s10, $0x1;
	s10 =	sld [smem:$0x3FB9]  }
0x3d: {  	_ =	shalt  }
0x3e: {  	_ =	shalt  }
0x3f: {  	_ =	shalt  }
0x40: {  	_ =	shalt  }
0x41: {  	_ =	shalt  }
0x42: {  	_ =	shalt  }
0x43: {  	_ =	shalt  }
0x44: {  	_ =	shalt  }
0x45: {  	_ =	shalt  }
0x46: {  	_ =	shalt  }
0x47: {  	_ =	shalt  }
0x48: {  	_ =	shalt  }
0x49: {  	_ =	shalt  }
0x4a: {  	_ =	shalt  }
0x4b: {  	_ =	shalt  }
0x4c: {  	_ =	shalt  }
0x4d: {  	_ =	shalt  }
0x4e: {  	_ =	shalt  }
0x4f: {  	_ =	shalt  }
0x50: {  	_ =	shalt  }
0x51: {  	_ =	shalt  }
0x52: {  	_ =	shalt  }
0x53: {  	_ =	shalt  }
0x54: {  	_ =	shalt  }
0x55: {  	_ =	shalt  }
0x56: {  	_ =	shalt  }
0x57: {  	_ =	shalt  }
0x58: {  	_ =	shalt  }
0x59: {  	_ =	shalt  }
0x5a: {  	_ =	shalt  }
0x5b: {  	_ =	shalt  }
0x5c: {  	_ =	shalt  }
0x5d: {  	_ =	shalt  }
0x5e: {  	_ =	shalt  }
0x5f: {  	_ =	shalt  }
0x60: {  	_ =	shalt  }
0x61: {  	_ =	shalt  }
0x62: {  	_ =	shalt  }
0x63: {  	_ =	shalt  }
0x64: {  	_ =	shalt  }
0x65: {  	_ =	shalt  }
0x66: {  	_ =	shalt  }
0x67: {  	_ =	shalt  }
0x68: {  	_ =	shalt  }
0x69: {  	_ =	shalt  }
0x6a: {  	_ =	shalt  }
0x6b: {  	_ =	shalt  }
0x6c: {  	_ =	shalt  }
0x6d: {  	_ =	shalt  }
0x6e: {  	_ =	shalt  }
0x6f: {  	_ =	shalt  }
0x70: {  	_ =	shalt  }
0x71: {  	_ =	shalt  }
0x72: {  	_ =	shalt  }
0x73: {  	_ =	shalt  }
0x74: {  	_ =	shalt  }
0x75: {  	_ =	shalt  }
0x76: {  	_ =	shalt  }
0x77: {  	_ =	shalt  }
0x78: {  	_ =	shalt  }
0x79: {  	_ =	shalt  }
0x7a: {  	_ =	shalt  }
0x7b: {  	_ =	shalt  }
0x7c: {  	_ =	shalt  }
0x7d: {  	_ =	shalt  }
0x7e: {  	_ =	shalt  }
0x7f: {  	_ =	shalt  }
0x80: {  	_ =	shalt  }
0x81: {  	_ =	shalt  }
0x82: {  	_ =	shalt  }
0x83: {  	_ =	shalt  }
0x84: {  	_ =	shalt  }
0x85: {  	_ =	shalt  }
0x86: {  	_ =	shalt  }
0x87: {  	_ =	shalt  }
.Lfunc_end0:
.L_simem_size_0:
called_computation_lowered:
.L_overlay_start_0:
0x88: {  	s2 =	sld [smem:$0x3FD9]  }
0x89: {  	s3 =	sld [smem:$0x3FFE];
	_ =	sdelay $0x1  }
0x8a: {  	s1 =	srdreg.scid  }
0x8b: {  	s0 =	sand.u32 $0x1, s1  }
0x8c: {  	s18 =	sshll.u32 s0, $0xA;
	s2 =	sadd.s32 s3, s2  }
0x8d: {  	s2 =	sadd.s32 s2, s18  }
0x8e: {  	[smem:$0x3FC5] =	sst s2  }
0x8f: {  	_ = 	snop  }
0x90: {  	s2 =	sld [smem:$0x3FC9]  }
0x91: {  	s19 =	sld [smem:$0x3FC8]  }
0x92: {  	s4 =	sld [smem:$0x3FC7]  }
0x93: {  	s5 =	sld [smem:$0x3FD0];
	(tm) =	ssettm $0x1  }
0x94: {  	s6 =	sld [smem:$0x3FFB];
	_ =	sdelay $0x3  }
0x95: {  	_ =	strace s6  }
0x96: {  	s6 =	sld [smem:$0x3FFC];
	_ =	sdelay $0x3  }
0x97: {  	_ =	strace s6  }
0x98: {  	s6 =	sld [smem:$0x3FFD];
	_ =	sdelay $0x3  }
0x99: {  	_ =	strace s6  }
0x9a: {  	_ =	strace $0x8FFFFFFF  }
0x9b: {  	s20 =	sld [smem:$0x3FDB];
	_ =	sdelay $0x1  }
0x9c: {  	s7 =	simm.s32 $_scs_section_size  }
0x9d: {  	s8 =	simm.s32 $_size__tile_overlayer_lowered;
	s9 =	simm.s32 $_tile_overlayer_lowered  }
0x9e: {  	s23 =	simm.s32 $0x1BFF;
	s22 =	sshll.u32 s9, $0x1;
	s6 =	sadd.s32 s7, s20  }
0x9f: {  	s10 =	simm.s32 $0x0;
	s21 =	sshll.u32 s8, $0x1;
	s8 =	sadd.s32 s22, s6  }
0xa0: {  	[timem:s10], [sflag:s23] =	dma.local [hbm:s8], s21  }
0xa1: {  	_ =	swait.ge [sflag:s23], s21  }
0xa2: {  	s7 =	ssub.s32 $0x0, s21;
	[sflag:s23] =	ssyncset.done $0x0  }
0xa3: {  	[sflag:s23] =	ssyncadd.s32 s7;
	_ =	sdelay $0x1  }
0xa4: {  	s24 =	simm.s32 $0x1B8B  }
0xa5: {  	_ =	swait.ge [sflag:s24], $0x1  }
0xa6: {  	[sflag:s24] =	ssyncset.done $0x0  }
0xa7: {  	s25 =	simm.s32 $0x1B8E;
	[sflag:s24] =	ssyncadd.s32 $0xFFFFFFFF  }
0xa8: {  	s26 =	simm.s32 $execute0_lowered;
	[smem:$0x3FD2] =	sst s25  }
0xa9: {  	s7 =	sshll.u32 s26, $0x1;
	_ =	strace $0x80000046;
	[dreg:$0x1] =	wrdreg $0xFFFFFFFF  }
0xaa: {  	s28 =	simm.s32 $_size_execute0_lowered;
	s6 =	sadd.s32 s6, s7;
	[dreg:$0x0] =	wrdreg $0x0  }
0xab: {  	s7 =	sshll.u32 s28, $0x1;
	[dreg:$0x2] =	wrdreg s6  }
0xac: {  	[dreg:$0x3] =	wrdreg s7  }
0xad: {  	[dreg:$0x4] =	wrdreg $0xC0  }
0xae: {  	_ =	task [dreg:s10], $0x5FFFF  }
0xaf: {  	[dreg:$0x1] =	wrdreg $0xFFFFFFFF  }
0xb0: {  	[dreg:$0x0] =	wrdreg $0x60  }
0xb1: {  	[dreg:$0x2] =	wrdreg s2  }
0xb2: {  	[dreg:$0x3] =	wrdreg s19  }
0xb3: {  	[dreg:$0x4] =	wrdreg s4  }
0xb4: {  	[dreg:$0x5] =	wrdreg s5  }
0xb5: {  	[dreg:$0x6] =	wrdreg $0x9  }
0xb6: {  	_ =	task.clear_ibuf [dreg:s10], $0x7FFFF;
	_ =	strace $0x90000046  }
0xb7: {  	s29 =	simm.s32 $0x9;
	_ =	strace $0x80000048  }
0xb8: {  	_ =	swait.ge [sflag:s29], $0x1  }
0xb9: {  	[sflag:s29] =	ssyncadd.s32 $0xFFFFFFFF  }
0xba: {  	_ =	strace $0x90000048  }
0xbb: {  	_ =	sfence  }
0xbc: {  	s30 =	sld [smem:$0x0];
	_ =	sdelay $0x2  }
0xbd: {  	s31 =	sshll.u32 s1, $0xD;
	s1 =	sshrl.u32 s1, $0x2  }
0xbe: {  	s3 =	sand.u32 $0x4000, s31;
	s1 =	sadd.s32 s1, s30  }
0xbf: {  	s0 =	sor.u32 s3, s0;
	s1 =	sshll.u32 s1, $0x11  }
0xc0: {  	s0 =	sor.u32 s1, s0  }
0xc1: {  	s0 =	sadd.s32 $0x8F2B, s0  }
0xc2: {  	[sflag:s0] =	ssyncadd.remote.s32 $0x1  }
0xc3: {  	_ =	sfence.sel $0xFFFF  }
0xc4: {  	[dreg:$0x0] =	wrdreg $0xFFFFFFFF;
	(pc) =	sbr.abs _section_cstart, $3  }
0xc5: {  	[dreg:$0x1] =	wrdreg $0xFFFFFFFF  }
0xc6: {  	_ =	task.clear_ibuf [dreg:s10], $0x2FFFF;
	_ =	strace $0x9FFFFFFF  }
0xc7: {  	(tm) =	ssettm $0x7FFFFFFF  }
tec
execute0_lowered:
.L_overlay_start_1:
0x0: {  	(tag) =	ssettag $0x1  }
0x1: {  	s0 =	rddreg [dreg:$0x0]  }
0x2: {  	s1 =	rddreg [dreg:$0x1]  }
0x3: {  	s2 =	rddreg [dreg:$0x2]  }
0x4: {  	s7 =	rddreg [dreg:$0x3]  }
0x5: {  	s3 =	simm.s32 $0x0;
	s4 =	srdreg.scid;
	s8 =	stileid.u32  }
0x6: {  	s11 =	simm.s32 $0xA;
	s13 =	simm.s32 $0x80;
	s14 =	simm.s32 $0x4800  }
0x7: {  	s15 =	simm.s32 $0x8800;
	s17 =	simm.s32 $0xC800;
	s18 =	simm.s32 $0x180  }
0x8: {  	s19 =	simm.s32 $0x10800;
	s20 =	simm.s32 $0x9;
	s21 =	simm.s32 $0x1  }
0x9: {  	s22 =	simm.s32 $0x2;
	s23 =	simm.s32 $0x3;
	s24 =	simm.s32 $0x4  }
0xa: {  	s28 =	simm.s32 $0x7;
	s29 =	simm.s32 $0x8;
	s30 =	simm.s32 $0x0  }
0xb: {  	[smem:$0x7FF] =	sst s3;
	s4 =	sand.u32 $0x1, s4;
	s5 =	sshll.u32 s8, $0x1  }
0xc: {  	s8 =	sshrl.u32 s8, $0x3;
	_ =	strace $0x80000047;
	s6 =	ssub.s32 $0x2, s4  }
0xd: {  	s5 =	sand.u32 $0xE, s5;
	s25 =	sshll.u32 s8, $0xC;
	s9 =	sshrl.u32 s6, $0x1  }
0xe: {  	s5 =	sor.u32 s4, s5;
	s0 =	sadd.s32 s0, s25;
	s4 =	sshll.u32 s8, $0x4  }
0xf: {  	s25 =	simm.s32 $0x5;
	s26 =	sshll.u32 s5, $0x7;
	s31 =	sshll.u32 s5, $0xB  }
0x10: {  	s9 =	ssub.s32 s6, s9;
	s5 =	sadd.s32 s26, s0;
	s6 =	sadd.s32 s2, s31  }
0x11: {  	s7 =	sadd.s32 s7, s31;
	s8 =	smax.u32 s9, $0x1;
	s26 =	simm.s32 $0x6  }
.LBB2_1:
0x12: {  	s0 =	simm.s32 $0x400;
	s2 =	simm.s32 $0x4000  }
0x13: {  	[tilespmem:s3], [sflag:$0xA] =	stream.strided.gather [hbm4b:s5+s0], $0x800, s2, s0, $0x38;
	[tilespmem:$0x14800] =	vst v63  }
0x14: {  	_ =	swait.ge [sflag:s11], $0x800  }
0x15: {  	[sflag:s11] =	ssyncset.done $0x0  }
0x16: {  	s12 =	simm.s32 $0x800;
	[sflag:s11] =	ssyncadd.s32 $0xFFFFF800  }
0x17: {  	[tilespmem:s12], [sflag:$0x9] =	stream.linear.gather [hbm4b:s6+s3], $0x4000, $0x38;
	[tilespmem:$0x14800] =	vst v63  }
0x18: {  	_ = 	snop  }
0x19: {  	[tilespmem:s14], [sflag:$0x1] =	stream.indirect.gather [hbm4b:s1+s13], $0x80, s3, s13, $0xb8;
	[tilespmem:$0x14800] =	vst v63  }
0x1a: {  	_ = 	snop  }
0x1b: {  	[tilespmem:s15], [sflag:$0x2] =	stream.indirect.gather [hbm4b:s1+s13], $0x80, s13, s13, $0xb8;
	[tilespmem:$0x14800] =	vst v63  }
0x1c: {  	s16 =	simm.s32 $0x100  }
0x1d: {  	[tilespmem:s17], [sflag:$0x3] =	stream.indirect.gather [hbm4b:s1+s13], $0x80, s16, s13, $0xb8;
	[tilespmem:$0x14800] =	vst v63  }
0x1e: {  	_ = 	snop  }
0x1f: {  	[tilespmem:s19], [sflag:$0x4] =	stream.indirect.gather [hbm4b:s1+s13], $0x80, s18, s13, $0xb8;
	[tilespmem:$0x14800] =	vst v63  }
0x20: {  	_ =	swait.ge [sflag:s20], $0x4000  }
0x21: {  	[sflag:s20] =	ssyncset.done $0x0  }
0x22: {  	s31 =	simm.s32 $0x0;
	[sflag:s20] =	ssyncadd.s32 $0xFFFFC000  }
.LBB2_2:
0x23: {  	p0 =	seq.s32 s31, $0x0  }
0x24: {  	s2 =	simm.s32 @!p0 $0x7  }
0x25: {  	s9 =	sshll.u32 s31, $0x2;
	_ =	swait.ge @!p0 [sflag:s2], $0x4000  }
0x26: {  	s0 =	sor.u32 $0x2, s9;
	[sflag:s2] =	ssyncset.done @!p0 $0x0  }
0x27: {  	[sflag:s2] =	ssyncadd.s32 @!p0 $0xFFFFC000;
	s2 =	sshll.u32 @!p0 s0, $0x7  }
0x28: {  	s10 =	simm.s32 @!p0 $0x80;
	s12 =	simm.s32 @!p0 $0xC800;
	s2 =	sand.u32 @!p0 $0x3FFFFF80, s2  }
0x29: {  	[tilespmem:s12], [sflag:$0x3] =	stream.indirect.gather @!p0 [hbm4b:s1+s10], $0x80, s2, s10, $0xb8;
	[tilespmem:$0x14800] =	vst v63  }
0x2a: {  	_ =	swait.ge [sflag:s21], $0x4000  }
0x2b: {  	[sflag:s21] =	ssyncset.done $0x0  }
0x2c: {  	s2 =	simm.s32 $0x0;
	s10 =	simm.s32 $0x200;
	[sflag:s21] =	ssyncadd.s32 $0xFFFFC000  }
.LBB2_3:
0x2d: {  	p1 =	sne.s32 s10, $0xFE00;
	v0 =	vld [tilespmem:s2+$0x870]  }
0x2e: {  	v1 =	vld [tilespmem:s2+$0x800]  }
0x2f: {  	v2 =	vld [tilespmem:s2+$0x810]  }
0x30: {  	v3 =	vld [tilespmem:s2+$0x820]  }
0x31: {  	v4 =	vld [tilespmem:s2+$0x830]  }
0x32: {  	[tilespmem:s2+$0x4870] =	vst.add.f32.msk $0xffff, v0  }
0x33: {  	v0 =	vld [tilespmem:s2+$0x840]  }
0x34: {  	v5 =	vld [tilespmem:s2+$0x850]  }
0x35: {  	v6 =	vld [tilespmem:s2+$0x860]  }
0x36: {  	[tilespmem:s2+$0x4800] =	vst.add.f32.msk $0xffff, v1  }
0x37: {  	[tilespmem:s2+$0x4810] =	vst.add.f32.msk $0xffff, v2  }
.Ltmp0:
0x38: {  	[tilespmem:s2+$0x4820] =	vst.add.f32.msk $0xffff, v3;
	(pc) =	sbr.rel @p1 .LBB2_3-.Ltmp0, $4  }
0x39: {  	[tilespmem:s2+$0x4830] =	vst.add.f32.msk $0xffff, v4  }
0x3a: {  	[tilespmem:s2+$0x4840] =	vst.add.f32.msk $0xffff, v0  }
0x3b: {  	[tilespmem:s2+$0x4850] =	vst.add.f32.msk $0xffff, v5  }
0x3c: {  	[tilespmem:s2+$0x4860] =	vst.add.f32.msk $0xffff, v6;
	s2 =	sshra.s32 s10, $0x2;
	s10 =	sadd.s32 $0x200, s10  }
0x3d: {  	v0 =	vld [tilespmem:s2+$0x870]  }
0x3e: {  	v1 =	vld [tilespmem:s2+$0x800]  }
0x3f: {  	v2 =	vld [tilespmem:s2+$0x810]  }
0x40: {  	v3 =	vld [tilespmem:s2+$0x820]  }
0x41: {  	v4 =	vld [tilespmem:s2+$0x830]  }
0x42: {  	v63 =	vld [tilespmem:s2+$0x840]  }
0x43: {  	v5 =	vld [tilespmem:s2+$0x850]  }
0x44: {  	v6 =	vld [tilespmem:s2+$0x860]  }
0x45: {  	[tilespmem:s2+$0x4870] =	vst.add.f32.msk $0xffff, v0  }
0x46: {  	[tilespmem:s2+$0x4800] =	vst.add.f32.msk $0xffff, v1  }
0x47: {  	[tilespmem:s2+$0x4810] =	vst.add.f32.msk $0xffff, v2  }
0x48: {  	[tilespmem:s2+$0x4820] =	vst.add.f32.msk $0xffff, v3  }
0x49: {  	[tilespmem:s2+$0x4830] =	vst.add.f32.msk $0xffff, v4  }
0x4a: {  	s10 =	sadd.s32 s4, s9;
	[tilespmem:s2+$0x4840] =	vst.add.f32.msk $0xffff, v63  }
0x4b: {  	s10 =	sshll.u32 s10, $0xF;
	[tilespmem:s2+$0x4850] =	vst.add.f32.msk $0xffff, v5  }
0x4c: {  	s16 =	sadd.s32 s10, s7;
	s10 =	simm.s32 @!p0 $0x8;
	[tilespmem:s2+$0x4860] =	vst.add.f32.msk $0xffff, v6  }
0x4d: {  	[hbm4b:s16+s3] =	stream.linear.scatter [tilespmem:s14], [sflag:$0x5], $0x4000, $0x38;
	[tilespmem:$0x14800] =	vst v63  }
0x4e: {  	_ =	swait.ge @!p0 [sflag:s10], $0x4000  }
0x4f: {  	s2 =	sor.u32 $0x3, s9;
	[sflag:s10] =	ssyncset.done @!p0 $0x0  }
0x50: {  	[sflag:s10] =	ssyncadd.s32 @!p0 $0xFFFFC000;
	s10 =	sshll.u32 @!p0 s2, $0x7  }
0x51: {  	s12 =	simm.s32 @!p0 $0x80;
	s16 =	simm.s32 @!p0 $0x10800;
	s10 =	sand.u32 @!p0 $0x3FFFFF80, s10  }
0x52: {  	[tilespmem:s16], [sflag:$0x4] =	stream.indirect.gather @!p0 [hbm4b:s1+s12], $0x80, s10, s12, $0xb8;
	[tilespmem:$0x14800] =	vst v63  }
0x53: {  	_ =	swait.ge [sflag:s22], $0x4000  }
0x54: {  	s9 =	sor.u32 $0x1, s9;
	[sflag:s22] =	ssyncset.done $0x0  }
0x55: {  	s10 =	simm.s32 $0x0;
	s12 =	simm.s32 $0x200;
	[sflag:s22] =	ssyncadd.s32 $0xFFFFC000  }
.LBB2_5:
0x56: {  	p0 =	sne.s32 s12, $0xFE00;
	v0 =	vld [tilespmem:s10+$0x870]  }
0x57: {  	v1 =	vld [tilespmem:s10+$0x800]  }
0x58: {  	v2 =	vld [tilespmem:s10+$0x810]  }
0x59: {  	v3 =	vld [tilespmem:s10+$0x820]  }
0x5a: {  	v4 =	vld [tilespmem:s10+$0x830]  }
0x5b: {  	[tilespmem:s10+$0x8870] =	vst.add.f32.msk $0xffff, v0  }
0x5c: {  	v0 =	vld [tilespmem:s10+$0x840]  }
0x5d: {  	v5 =	vld [tilespmem:s10+$0x850]  }
0x5e: {  	v6 =	vld [tilespmem:s10+$0x860]  }
0x5f: {  	[tilespmem:s10+$0x8800] =	vst.add.f32.msk $0xffff, v1  }
0x60: {  	[tilespmem:s10+$0x8810] =	vst.add.f32.msk $0xffff, v2  }
.Ltmp1:
0x61: {  	[tilespmem:s10+$0x8820] =	vst.add.f32.msk $0xffff, v3;
	(pc) =	sbr.rel @p0 .LBB2_5-.Ltmp1, $4  }
0x62: {  	[tilespmem:s10+$0x8830] =	vst.add.f32.msk $0xffff, v4  }
0x63: {  	[tilespmem:s10+$0x8840] =	vst.add.f32.msk $0xffff, v0  }
0x64: {  	[tilespmem:s10+$0x8850] =	vst.add.f32.msk $0xffff, v5  }
0x65: {  	[tilespmem:s10+$0x8860] =	vst.add.f32.msk $0xffff, v6;
	s10 =	sshra.s32 s12, $0x2;
	s12 =	sadd.s32 $0x200, s12  }
0x66: {  	v0 =	vld [tilespmem:s10+$0x870]  }
0x67: {  	v1 =	vld [tilespmem:s10+$0x800]  }
0x68: {  	v2 =	vld [tilespmem:s10+$0x810]  }
0x69: {  	v3 =	vld [tilespmem:s10+$0x820]  }
0x6a: {  	v4 =	vld [tilespmem:s10+$0x830]  }
0x6b: {  	v63 =	vld [tilespmem:s10+$0x840]  }
0x6c: {  	v5 =	vld [tilespmem:s10+$0x850]  }
0x6d: {  	v6 =	vld [tilespmem:s10+$0x860]  }
0x6e: {  	[tilespmem:s10+$0x8870] =	vst.add.f32.msk $0xffff, v0  }
0x6f: {  	[tilespmem:s10+$0x8800] =	vst.add.f32.msk $0xffff, v1  }
0x70: {  	[tilespmem:s10+$0x8810] =	vst.add.f32.msk $0xffff, v2  }
0x71: {  	[tilespmem:s10+$0x8820] =	vst.add.f32.msk $0xffff, v3  }
0x72: {  	[tilespmem:s10+$0x8830] =	vst.add.f32.msk $0xffff, v4  }
0x73: {  	s9 =	sadd.s32 s4, s9;
	[tilespmem:s10+$0x8840] =	vst.add.f32.msk $0xffff, v63  }
0x74: {  	s9 =	sshll.u32 s9, $0xF;
	[tilespmem:s10+$0x8850] =	vst.add.f32.msk $0xffff, v5  }
0x75: {  	p0 =	seq.s32 s31, $0x3;
	s9 =	sadd.s32 s9, s7;
	[tilespmem:s10+$0x8860] =	vst.add.f32.msk $0xffff, v6  }
0x76: {  	[hbm4b:s9+s3] =	stream.linear.scatter [tilespmem:s15], [sflag:$0x6], $0x4000, $0x38;
	[tilespmem:$0x14800] =	vst v63  }
0x77: {  	s9 =	simm.s32 @!p0 $0x5  }
0x78: {  	_ =	swait.ge @!p0 [sflag:s9], $0x4000  }
0x79: {  	s10 =	sshll.u32 @!p0 s31, $0x9;
	[sflag:s9] =	ssyncset.done @!p0 $0x0  }
0x7a: {  	[sflag:s9] =	ssyncadd.s32 @!p0 $0xFFFFC000;
	s9 =	sand.u32 @!p0 $0x3FFFFE00, s10  }
0x7b: {  	s12 =	simm.s32 @!p0 $0x80;
	s16 =	simm.s32 @!p0 $0x4800;
	s10 =	sadd.s32 @!p0 $0x200, s9  }
0x7c: {  	[tilespmem:s16], [sflag:$0x1] =	stream.indirect.gather @!p0 [hbm4b:s1+s12], $0x80, s10, s12, $0xb8;
	[tilespmem:$0x14800] =	vst v63  }
0x7d: {  	_ =	swait.ge [sflag:s23], $0x4000  }
0x7e: {  	[sflag:s23] =	ssyncset.done $0x0  }
0x7f: {  	s10 =	simm.s32 $0x0;
	s12 =	simm.s32 $0x200;
	[sflag:s23] =	ssyncadd.s32 $0xFFFFC000  }
.LBB2_7:
0x80: {  	p1 =	sne.s32 s12, $0xFE00;
	v0 =	vld [tilespmem:s10+$0x870]  }
0x81: {  	v1 =	vld [tilespmem:s10+$0x800]  }
0x82: {  	v2 =	vld [tilespmem:s10+$0x810]  }
0x83: {  	v3 =	vld [tilespmem:s10+$0x820]  }
0x84: {  	v4 =	vld [tilespmem:s10+$0x830]  }
0x85: {  	[tilespmem:s10+$0xC870] =	vst.add.f32.msk $0xffff, v0  }
0x86: {  	v0 =	vld [tilespmem:s10+$0x840]  }
0x87: {  	v5 =	vld [tilespmem:s10+$0x850]  }
0x88: {  	v6 =	vld [tilespmem:s10+$0x860]  }
0x89: {  	[tilespmem:s10+$0xC800] =	vst.add.f32.msk $0xffff, v1  }
0x8a: {  	[tilespmem:s10+$0xC810] =	vst.add.f32.msk $0xffff, v2  }
.Ltmp2:
0x8b: {  	[tilespmem:s10+$0xC820] =	vst.add.f32.msk $0xffff, v3;
	(pc) =	sbr.rel @p1 .LBB2_7-.Ltmp2, $4  }
0x8c: {  	[tilespmem:s10+$0xC830] =	vst.add.f32.msk $0xffff, v4  }
0x8d: {  	[tilespmem:s10+$0xC840] =	vst.add.f32.msk $0xffff, v0  }
0x8e: {  	[tilespmem:s10+$0xC850] =	vst.add.f32.msk $0xffff, v5  }
0x8f: {  	[tilespmem:s10+$0xC860] =	vst.add.f32.msk $0xffff, v6;
	s10 =	sshra.s32 s12, $0x2;
	s12 =	sadd.s32 $0x200, s12  }
0x90: {  	v0 =	vld [tilespmem:s10+$0x870]  }
0x91: {  	v1 =	vld [tilespmem:s10+$0x800]  }
0x92: {  	v2 =	vld [tilespmem:s10+$0x810]  }
0x93: {  	v3 =	vld [tilespmem:s10+$0x820]  }
0x94: {  	v4 =	vld [tilespmem:s10+$0x830]  }
0x95: {  	v63 =	vld [tilespmem:s10+$0x840]  }
0x96: {  	v5 =	vld [tilespmem:s10+$0x850]  }
0x97: {  	v6 =	vld [tilespmem:s10+$0x860]  }
0x98: {  	[tilespmem:s10+$0xC870] =	vst.add.f32.msk $0xffff, v0  }
0x99: {  	[tilespmem:s10+$0xC800] =	vst.add.f32.msk $0xffff, v1  }
0x9a: {  	[tilespmem:s10+$0xC810] =	vst.add.f32.msk $0xffff, v2  }
0x9b: {  	[tilespmem:s10+$0xC820] =	vst.add.f32.msk $0xffff, v3  }
0x9c: {  	[tilespmem:s10+$0xC830] =	vst.add.f32.msk $0xffff, v4  }
0x9d: {  	s0 =	sadd.s32 s4, s0;
	[tilespmem:s10+$0xC840] =	vst.add.f32.msk $0xffff, v63  }
0x9e: {  	s0 =	sshll.u32 s0, $0xF;
	[tilespmem:s10+$0xC850] =	vst.add.f32.msk $0xffff, v5  }
0x9f: {  	s0 =	sadd.s32 s0, s7;
	[tilespmem:s10+$0xC860] =	vst.add.f32.msk $0xffff, v6  }
0xa0: {  	[hbm4b:s0+s3] =	stream.linear.scatter [tilespmem:s17], [sflag:$0x7], $0x4000, $0x38;
	[tilespmem:$0x14800] =	vst v63  }
0xa1: {  	s0 =	simm.s32 @!p0 $0x6  }
0xa2: {  	_ =	swait.ge @!p0 [sflag:s0], $0x4000  }
0xa3: {  	s10 =	simm.s32 @!p0 $0x8800;
	[sflag:s0] =	ssyncset.done @!p0 $0x0  }
0xa4: {  	[sflag:s0] =	ssyncadd.s32 @!p0 $0xFFFFC000;
	s0 =	sadd.s32 @!p0 $0x280, s9;
	s9 =	simm.s32 @!p0 $0x80  }
0xa5: {  	[tilespmem:s10], [sflag:$0x2] =	stream.indirect.gather @!p0 [hbm4b:s1+s9], $0x80, s0, s9, $0xb8;
	[tilespmem:$0x14800] =	vst v63  }
0xa6: {  	_ =	swait.ge [sflag:s24], $0x4000  }
0xa7: {  	[sflag:s24] =	ssyncset.done $0x0  }
0xa8: {  	s0 =	simm.s32 $0x0;
	s9 =	simm.s32 $0x200;
	[sflag:s24] =	ssyncadd.s32 $0xFFFFC000  }
.LBB2_9:
0xa9: {  	p0 =	sne.s32 s9, $0xFE00;
	v0 =	vld [tilespmem:s0+$0x870]  }
0xaa: {  	v1 =	vld [tilespmem:s0+$0x800]  }
0xab: {  	v2 =	vld [tilespmem:s0+$0x810]  }
0xac: {  	v3 =	vld [tilespmem:s0+$0x820]  }
0xad: {  	v4 =	vld [tilespmem:s0+$0x830]  }
0xae: {  	[tilespmem:s0+$0x10870] =	vst.add.f32.msk $0xffff, v0  }
0xaf: {  	v0 =	vld [tilespmem:s0+$0x840]  }
0xb0: {  	v5 =	vld [tilespmem:s0+$0x850]  }
0xb1: {  	v6 =	vld [tilespmem:s0+$0x860]  }
0xb2: {  	[tilespmem:s0+$0x10800] =	vst.add.f32.msk $0xffff, v1  }
0xb3: {  	[tilespmem:s0+$0x10810] =	vst.add.f32.msk $0xffff, v2  }
.Ltmp3:
0xb4: {  	[tilespmem:s0+$0x10820] =	vst.add.f32.msk $0xffff, v3;
	(pc) =	sbr.rel @p0 .LBB2_9-.Ltmp3, $4  }
0xb5: {  	[tilespmem:s0+$0x10830] =	vst.add.f32.msk $0xffff, v4  }
0xb6: {  	[tilespmem:s0+$0x10840] =	vst.add.f32.msk $0xffff, v0  }
0xb7: {  	[tilespmem:s0+$0x10850] =	vst.add.f32.msk $0xffff, v5  }
0xb8: {  	[tilespmem:s0+$0x10860] =	vst.add.f32.msk $0xffff, v6;
	s0 =	sshra.s32 s9, $0x2;
	s9 =	sadd.s32 $0x200, s9  }
0xb9: {  	v0 =	vld [tilespmem:s0+$0x870]  }
0xba: {  	v1 =	vld [tilespmem:s0+$0x800]  }
0xbb: {  	v2 =	vld [tilespmem:s0+$0x810]  }
0xbc: {  	v3 =	vld [tilespmem:s0+$0x820]  }
0xbd: {  	v4 =	vld [tilespmem:s0+$0x830]  }
0xbe: {  	v63 =	vld [tilespmem:s0+$0x840]  }
0xbf: {  	v5 =	vld [tilespmem:s0+$0x850]  }
0xc0: {  	v6 =	vld [tilespmem:s0+$0x860]  }
0xc1: {  	[tilespmem:s0+$0x10870] =	vst.add.f32.msk $0xffff, v0  }
0xc2: {  	[tilespmem:s0+$0x10800] =	vst.add.f32.msk $0xffff, v1  }
0xc3: {  	s31 =	sadd.s32 $0x1, s31;
	[tilespmem:s0+$0x10810] =	vst.add.f32.msk $0xffff, v2  }
0xc4: {  	p0 =	sne.s32 s31, $0x4;
	[tilespmem:s0+$0x10820] =	vst.add.f32.msk $0xffff, v3  }
.Ltmp4:
0xc5: {  	[tilespmem:s0+$0x10830] =	vst.add.f32.msk $0xffff, v4;
	(pc) =	sbr.rel @p0 .LBB2_2-.Ltmp4, $4  }
0xc6: {  	s2 =	sadd.s32 s4, s2;
	[tilespmem:s0+$0x10840] =	vst.add.f32.msk $0xffff, v63  }
0xc7: {  	s2 =	sshll.u32 s2, $0xF;
	[tilespmem:s0+$0x10850] =	vst.add.f32.msk $0xffff, v5  }
0xc8: {  	s16 =	sadd.s32 s2, s7;
	[tilespmem:s0+$0x10860] =	vst.add.f32.msk $0xffff, v6  }
0xc9: {  	[hbm4b:s16+s3] =	stream.linear.scatter [tilespmem:s19], [sflag:$0x8], $0x4000, $0x38;
	[tilespmem:$0x14800] =	vst v63  }
0xca: {  	_ =	swait.ge [sflag:s25], $0x4000  }
0xcb: {  	[sflag:s25] =	ssyncset.done $0x0  }
0xcc: {  	[sflag:s25] =	ssyncadd.s32 $0xFFFFC000  }
0xcd: {  	_ =	swait.ge [sflag:s26], $0x4000  }
0xce: {  	[sflag:s26] =	ssyncset.done $0x0  }
0xcf: {  	s30 =	sadd.s32 $0x1, s30;
	[sflag:s26] =	ssyncadd.s32 $0xFFFFC000  }
0xd0: {  	p0 =	sne.s32 s30, s8;
	_ =	swait.ge [sflag:s28], $0x4000  }
.Ltmp5:
0xd1: {  	[sflag:s28] =	ssyncset.done $0x0;
	(pc) =	sbr.rel @p0 .LBB2_1-.Ltmp5, $4  }
0xd2: {  	[sflag:s28] =	ssyncadd.s32 $0xFFFFC000  }
0xd3: {  	_ =	swait.ge [sflag:s29], $0x4000  }
0xd4: {  	[sflag:s29] =	ssyncset.done $0x0  }
0xd5: {  	[sflag:s29] =	ssyncadd.s32 $0xFFFFC000  }
0xd6: {  	_ =	sfence.sel $0x180000  }
0xd7: {  	[bflag:$0x0] =	sbarrier.arrive $0xFFFF  }
0xd8: {  	_ =	strace $0x90000047  }
0xd9: {  	s0 =	stileid.u32;
	[bflag:$0x2] =	sbarrier.arrive $0xFFFF  }
0xda: {  	p0 =	sne.s32 s0, $0x0;
	s0 =	rddreg [dreg:$0x4]  }
0xdb: {  	s0 =	sadd.s32 @!p0 $0x100000, s0  }
0xdc: {  	[sflag:s0] =	ssyncadd.tile.s32 @!p0 $0x1;
	_ =	shalt  }
.Lfunc_end2:
_tile_overlayer_lowered:
.L_overlay_start_2:
0xdd: {  	(tag) =	ssettag $0x2  }
0xde: {  	s0 =	rddreg [dreg:$0x0];
	s2 =	stileid.u32  }
0xdf: {  	s1 =	rddreg [dreg:$0x1];
	p0 =	sne.s32 s2, $0x0  }
0xe0: {  	s3 =	rddreg [dreg:$0x2];
	[bflag:$0x3] =	sbarrier.arrive $0xFFFF;
	s2 =	simm.s32 @!p0 $0x1C0A  }
0xe1: {  	[timem:s3], [sflag:s2] =	dma.local @!p0 [hbm:s0], s1  }
0xe2: {  	s0 =	simm.s32 @!p0 $0xA  }
0xe3: {  	_ =	swait.ge @!p0 [sflag:s0], s1  }
0xe4: {  	s1 =	ssub.s32 @!p0 $0x0, s1;
	[sflag:s0] =	ssyncset.done @!p0 $0x0  }
0xe5: {  	[sflag:s0] =	ssyncadd.s32 @!p0 s1  }
0xe6: {  	[bflag:$0x3] =	sbarrier.arrive $0xFFFF  }
0xe7: {  	_ =	shalt  }

</sc_bundles>
